<compile_context>
chip_gen: v7x
topology: tpu7x:2x2x1
jax: 0.10.2.dev20260603
libtpu: 0.0.44.dev20260713+nightly
codegen_flags: <defaults>
</compile_context>

<pallas_src>
import functools

import jax
import jax.numpy as jnp
from jax import lax
from jax.experimental import pallas as pl
from jax.experimental.pallas import tpu as pltpu
from jax.experimental.pallas import tpu_sc as plsc

ALPHA = 1.0
BETA = 1.0
LAMB = 1e-4
TAU = 0.1
DELTA = 1e-4

BIG = 3.0e38
BIGI = 2**30
NS_ITERS = 30
TOPW = 16
GW = 128


CHUNK = 200


def _knn_stats_kernel(q_ref, w_ref, b_ref, x_ref,
                      t_ref, s_ref, cs_ref, topv_ref, topi_ref, sc_scr,
                      *, blk, k):
    i = pl.program_id(0)

    @pl.when(i == 0)
    def _init():
        t_ref[...] = (
            jnp.dot(q_ref[...], w_ref[...], preferred_element_type=jnp.float32)
            + b_ref[...]
        )
        s_ref[...] = jnp.zeros_like(s_ref)
        cs_ref[...] = jnp.zeros_like(cs_ref)
        topv_ref[...] = jnp.full(topv_ref.shape, BIG, jnp.float32)
        topi_ref[...] = jnp.zeros(topi_ref.shape, jnp.int32)

    x = x_ref[...]
    t = t_ref[...]
    cs_ref[...] += jnp.sum(x, axis=0, keepdims=True)
    s_ref[...] += lax.dot_general(x, x, (((0,), (0,)), ((), ())),
                                  preferred_element_type=jnp.float32)

    rn = jnp.sum(x * x, axis=1)
    sc_scr[...] = rn[:, None] - 2.0 * lax.dot_general(
        x, t, (((1,), (1,)), ((), ())), preferred_element_type=jnp.float32)

    b_count = t.shape[0]
    nrun = topv_ref.shape[0]

    def merge_chunk(c, carry):
        ch = sc_scr[pl.ds(c * CHUNK, CHUNK), :]
        theta = topv_ref[k - 1:k, :]
        cnt = jnp.sum((ch < theta).astype(jnp.int32), axis=0, keepdims=True)
        n_hit = jnp.minimum(jnp.max(cnt), k)

        @pl.when(n_hit > 0)
        def _merge():
            gci = (lax.broadcasted_iota(jnp.int32, ch.shape, 0)
                   + (i * blk + c * CHUNK))
            rows16 = lax.broadcasted_iota(jnp.int32, (nrun, b_count), 0)

            def extract(j, carry2):
                chv, newv, newi = carry2
                m = jnp.min(chv, axis=0, keepdims=True)
                ix = jnp.min(jnp.where(chv == m, gci, BIGI),
                             axis=0, keepdims=True)
                chv = jnp.where((chv == m) & (gci == ix), BIG, chv)
                newv = jnp.where(rows16 == j, m, newv)
                newi = jnp.where(rows16 == j, ix, newi)
                return chv, newv, newi

            newv0 = jnp.full((nrun, b_count), BIG, jnp.float32)
            newi0 = jnp.zeros((nrun, b_count), jnp.int32)
            _, newv, newi = lax.fori_loop(0, n_hit, extract,
                                          (ch, newv0, newi0))

            cv = jnp.concatenate([topv_ref[...], newv], axis=0)
            ci = jnp.concatenate([topi_ref[...], newi], axis=0)
            rows = lax.broadcasted_iota(jnp.int32, cv.shape, 0)
            nv, ni = [], []
            for _ in range(k):
                m = jnp.min(cv, axis=0, keepdims=True)
                r = jnp.min(jnp.where(cv == m, rows, BIGI),
                            axis=0, keepdims=True)
                hit = rows == r
                ix = jnp.sum(jnp.where(hit, ci, 0), axis=0, keepdims=True)
                nv.append(m)
                ni.append(ix)
                cv = jnp.where(hit, BIG, cv)
            nv.append(jnp.full((nrun - k, b_count), BIG, jnp.float32))
            ni.append(jnp.zeros((nrun - k, b_count), jnp.int32))
            topv_ref[...] = jnp.concatenate(nv, axis=0)
            topi_ref[...] = jnp.concatenate(ni, axis=0)

        return carry

    lax.fori_loop(0, blk // CHUNK, merge_chunk, 0)


def _sc_gather_kernel(qi_hbm, pi_hbm, pw_hbm, oi_hbm, ow_hbm,
                      idx_v, rows_i, rows_w, sem_i, sem_w, *,
                      n_workers, rows_per, num_cores):
    wid = lax.axis_index("s") * num_cores + lax.axis_index("c")

    @pl.when(wid < n_workers)
    def _():
        base = wid * rows_per
        pltpu.sync_copy(qi_hbm.at[pl.ds(base, rows_per)], idx_v)
        pltpu.async_copy(pi_hbm.at[idx_v], rows_i, sem_i).wait()
        pltpu.async_copy(pw_hbm.at[idx_v], rows_w, sem_w).wait()
        pltpu.sync_copy(rows_i, oi_hbm.at[pl.ds(base, rows_per)])
        pltpu.sync_copy(rows_w, ow_hbm.at[pl.ds(base, rows_per)])


def _final_kernel(t_ref, s_ref, cs_ref, topv_ref, topi_ref,
                  gpi_ref, gpw_ref, w_ref, b_ref, out_ref, *, n_db, k):
    d = s_ref.shape[0]
    b_count = t_ref.shape[0]
    rr = lax.broadcasted_iota(jnp.int32, (d, d), 0)
    cc = lax.broadcasted_iota(jnp.int32, (d, d), 1)
    eye = (rr == cc).astype(jnp.float32)

    mu_x = cs_ref[...] / n_db
    cov_x = (s_ref[...] / n_db
             - lax.dot_general(mu_x, mu_x, (((0,), (0,)), ((), ())),
                               preferred_element_type=jnp.float32)
             + DELTA * eye)
    t = t_ref[...]
    mu_t = jnp.sum(t, axis=0, keepdims=True) / b_count
    tc = t - mu_t
    cov_t = (lax.dot_general(tc, tc, (((0,), (0,)), ((), ())),
                             preferred_element_type=jnp.float32) / b_count
             + DELTA * eye)
    loss_mean = jnp.sum((mu_t - mu_x) ** 2)

    def ns_sqrt(a):
        c = jnp.sum(a * eye)
        y = a / c
        z = eye
        for _ in range(NS_ITERS):
            tm = 1.5 * eye - 0.5 * jnp.dot(z, y, preferred_element_type=jnp.float32)
            y = jnp.dot(y, tm, preferred_element_type=jnp.float32)
            z = jnp.dot(tm, z, preferred_element_type=jnp.float32)
        return y * jnp.sqrt(c)

    st = ns_sqrt(cov_t)
    m_mid = jnp.dot(jnp.dot(st, cov_x, preferred_element_type=jnp.float32), st,
                    preferred_element_type=jnp.float32)
    sq = ns_sqrt(m_mid)
    loss_cov = jnp.sum(cov_x * eye) + jnp.sum(cov_t * eye) - 2.0 * jnp.sum(sq * eye)
    loss_dist = jnp.maximum(loss_mean + loss_cov, 0.0)

    rb = lax.broadcasted_iota(jnp.int32, (b_count, b_count), 0)
    cb = lax.broadcasted_iota(jnp.int32, (b_count, b_count), 1)
    eye_b = (rb == cb).astype(jnp.float32)
    topv_t = lax.dot_general(eye_b, topv_ref[...], (((1,), (1,)), ((), ())),
                             preferred_element_type=jnp.float32)
    topi_t = lax.dot_general(eye_b, topi_ref[...].astype(jnp.float32),
                             (((1,), (1,)), ((), ())),
                             preferred_element_type=jnp.float32).astype(jnp.int32)

    pv = topv_t[:, :k]
    post_i = topi_t[:, :k]
    mrow = jnp.min(pv, axis=1, keepdims=True)
    ew = jnp.exp(-(pv - mrow) / TAU)
    post_w = ew / jnp.sum(ew, axis=1, keepdims=True)

    pre_i = gpi_ref[:, :k]
    pre_w = gpw_ref[:, :k]
    all_idx = jnp.concatenate([pre_i, post_i], axis=1)
    a3 = all_idx[:, :, None]
    eq_tt = a3 == all_idx[:, None, :]
    it_t = lax.broadcasted_iota(jnp.int32, eq_tt.shape, 1)
    it_s = lax.broadcasted_iota(jnp.int32, eq_tt.shape, 2)
    first = ~jnp.any(eq_tt & (it_s < it_t), axis=2)
    p_m = jnp.sum((a3 == pre_i[:, None, :]).astype(jnp.float32)
                  * pre_w[:, None, :], axis=2)
    q_m = jnp.sum((a3 == post_i[:, None, :]).astype(jnp.float32)
                  * post_w[:, None, :], axis=2)
    p_r = jnp.where(first, jnp.maximum(p_m, 1e-8), 0.0)
    p_h = p_r / jnp.sum(p_r, axis=1, keepdims=True)
    q_r = jnp.where(first, jnp.maximum(q_m, 1e-8), 0.0)
    q_h = q_r / jnp.sum(q_r, axis=1, keepdims=True)
    lp = jnp.log(jnp.where(first, p_h, 1.0))
    lq = jnp.log(jnp.where(first, q_h, 1.0))
    loss_knn = jnp.sum(jnp.where(first, p_h * (lp - lq), 0.0)) / b_count

    loss_reg = (jnp.sum(w_ref[...] ** 2) + jnp.sum(b_ref[...] ** 2)) / 2.0
    total = ALPHA * loss_dist + BETA * loss_knn + LAMB * loss_reg

    ji = lax.broadcasted_iota(jnp.int32, out_ref.shape, 1)
    out_ref[...] = (jnp.where(ji == 0, total, 0.0)
                    + jnp.where(ji == 1, loss_dist, 0.0)
                    + jnp.where(ji == 2, loss_knn, 0.0))


def kernel(q_batch, q_indices, X, W, b, pre_weights, pre_indices):
    n_db, d = X.shape
    b_count = q_batch.shape[0]
    k = pre_indices.shape[1]
    blk = 2000
    nsteps = n_db // blk
    b2 = b.reshape(1, d).astype(jnp.float32)

    t_q, s_acc, cs, topv, topi = pl.pallas_call(
        functools.partial(_knn_stats_kernel, blk=blk, k=k),
        grid=(nsteps,),
        in_specs=[
            pl.BlockSpec((b_count, d), lambda i: (0, 0)),
            pl.BlockSpec((d, d), lambda i: (0, 0)),
            pl.BlockSpec((1, d), lambda i: (0, 0)),
            pl.BlockSpec((blk, d), lambda i: (i, 0)),
        ],
        out_specs=[
            pl.BlockSpec((b_count, d), lambda i: (0, 0)),
            pl.BlockSpec((d, d), lambda i: (0, 0)),
            pl.BlockSpec((1, d), lambda i: (0, 0)),
            pl.BlockSpec((TOPW, b_count), lambda i: (0, 0)),
            pl.BlockSpec((TOPW, b_count), lambda i: (0, 0)),
        ],
        out_shape=[
            jax.ShapeDtypeStruct((b_count, d), jnp.float32),
            jax.ShapeDtypeStruct((d, d), jnp.float32),
            jax.ShapeDtypeStruct((1, d), jnp.float32),
            jax.ShapeDtypeStruct((TOPW, b_count), jnp.float32),
            jax.ShapeDtypeStruct((TOPW, b_count), jnp.int32),
        ],
        scratch_shapes=[pltpu.VMEM((blk, b_count), jnp.float32)],
    )(q_batch.astype(jnp.float32), W.astype(jnp.float32), b2,
      X.astype(jnp.float32))

    info = plsc.get_sparse_core_info()
    num_cores = info.num_cores
    n_workers = 16
    rows_per = b_count // n_workers
    qi = q_indices.astype(jnp.int32)
    pi_pad = jnp.pad(pre_indices.astype(jnp.int32), ((0, 0), (0, GW - k)))
    pw_pad = jnp.pad(pre_weights.astype(jnp.float32), ((0, 0), (0, GW - k)))
    mesh = plsc.VectorSubcoreMesh(core_axis_name="c", subcore_axis_name="s")
    gpi, gpw = pl.kernel(
        functools.partial(_sc_gather_kernel, n_workers=n_workers,
                          rows_per=rows_per, num_cores=num_cores),
        out_type=[
            jax.ShapeDtypeStruct((b_count, GW), jnp.int32),
            jax.ShapeDtypeStruct((b_count, GW), jnp.float32),
        ],
        mesh=mesh,
        scratch_types=[
            pltpu.VMEM((rows_per,), jnp.int32),
            pltpu.VMEM((rows_per, GW), jnp.int32),
            pltpu.VMEM((rows_per, GW), jnp.float32),
            pltpu.SemaphoreType.DMA,
            pltpu.SemaphoreType.DMA,
        ],
    )(qi, pi_pad, pw_pad)

    out = pl.pallas_call(
        functools.partial(_final_kernel, n_db=n_db, k=k),
        in_specs=[pl.BlockSpec(a.shape, lambda: (0,) * a.ndim)
                  for a in (t_q, s_acc, cs, topv, topi, gpi, gpw)]
        + [pl.BlockSpec((d, d), lambda: (0, 0)),
           pl.BlockSpec((1, d), lambda: (0, 0))],
        out_specs=pl.BlockSpec((1, 8), lambda: (0, 0)),
        out_shape=jax.ShapeDtypeStruct((1, 8), jnp.float32),
    )(t_q, s_acc, cs, topv, topi, gpi, gpw, W.astype(jnp.float32), b2)

    return (out[0, 0], out[0, 1], out[0, 2])

# --- scband reference (transcript-rebuilt; emitter-appended) ---
"""Pipeline reference for scband-custom-loss-90555090469646 (READ-ONLY COPY).

The authoritative reference and input builder live on the scoring server;
editing this copy changes nothing except your own understanding.
"""

import jax, jax.numpy as jnp
import numpy as np

ALPHA = 1.0
BETA = 1.0
LAMB = 1e-4
K = 10
TAU = 0.1
DELTA = 1e-4


def matrix_sqrt(A):
    A = 0.5 * (A + A.T)
    w, v = jnp.linalg.eigh(A)
    w = jnp.maximum(w, 0.0)
    return (v * jnp.sqrt(w)[None, :]) @ v.T


def setup_inputs(seed: int = 0):
    key = jax.random.key(seed)
    ks = jax.random.split(key, 8)
    N, d, B, NQ = 100000, 64, 128, 10000
    X = jax.random.normal(ks[0], (N, d), dtype=jnp.float32)
    q_batch = jax.random.normal(ks[1], (B, d), dtype=jnp.float32)
    q_indices = jax.random.randint(ks[2], (B,), 0, NQ)
    W = jax.random.normal(ks[3], (d, d), dtype=jnp.float32) * 0.1
    b = jnp.zeros((d,), dtype=jnp.float32)
    pre_indices = jax.random.randint(ks[4], (NQ, K), 0, N)
    pre_weights = jax.nn.softmax(jax.random.normal(ks[5], (NQ, K), dtype=jnp.float32), axis=1)
    return {"q_batch": q_batch, "q_indices": q_indices, "X": X, "W": W, "b": b, "pre_weights": pre_weights, "pre_indices": pre_indices}


def reference(q_batch, q_indices, X, W, b, pre_weights, pre_indices):
    N, d = X.shape
    B = q_batch.shape[0]
    eye = jnp.eye(d, dtype=X.dtype)
    # precomputed database stats (done in __init__ in torch)
    mu_X = jnp.mean(X, axis=0)
    Xc = X - mu_X
    cov_X = Xc.T @ Xc / N + DELTA * eye
    # model forward: linear map T(q) = q W + b
    T_q = q_batch @ W + b
    # L_dist: Gaussian-Wasserstein distance between batch stats and database stats
    mu_t = jnp.mean(T_q, axis=0)
    Tc = T_q - mu_t
    cov_t = Tc.T @ Tc / B + DELTA * eye
    loss_mean = jnp.sum((mu_t - mu_X) ** 2)
    cov_t_sqrt = matrix_sqrt(cov_t)
    sqrt_term = matrix_sqrt(cov_t_sqrt @ cov_X @ cov_t_sqrt)
    loss_cov = jnp.trace(cov_X + cov_t - 2.0 * sqrt_term)
    loss_dist = jnp.maximum(loss_mean + loss_cov, 0.0)
    # L_knn: exact L2 KNN search (faiss IndexFlatL2 emulation) on detached T_q
    T_det = jax.lax.stop_gradient(T_q)
    d2 = jnp.sum(T_det ** 2, axis=1, keepdims=True) - 2.0 * (T_det @ X.T) + jnp.sum(X ** 2, axis=1)[None, :]
    _, post_indices = jax.lax.top_k(-d2, K)
    X_neighbors = X[post_indices]
    l2 = jnp.sum((T_q[:, None, :] - X_neighbors) ** 2, axis=-1)
    post_weights = jax.nn.softmax(-l2 / TAU, axis=1)
    batch_kl = jnp.asarray(0.0, dtype=jnp.float32)
    for i in range(B):
        qi = q_indices[i]
        pre_i = pre_indices[qi]
        pre_w = pre_weights[qi]
        post_i = post_indices[i]
        post_w = post_weights[i]
        union = jnp.unique(jnp.concatenate([pre_i, post_i], axis=0), size=2 * K, fill_value=-1)
        valid = union >= 0
        p_m = ((union[:, None] == pre_i[None, :]).astype(jnp.float32) @ pre_w[:, None])[:, 0]
        q_m = ((union[:, None] == post_i[None, :]).astype(jnp.float32) @ post_w[:, None])[:, 0]
        p_m = jnp.where(valid, jnp.clip(p_m, 1e-8, None), 0.0)
        p_m = p_m / jnp.sum(p_m)
        q_m = jnp.where(valid, jnp.clip(q_m, 1e-8, None), 0.0)
        q_m = q_m / jnp.sum(q_m)
        log_p = jnp.log(jnp.where(valid, p_m, 1.0))
        log_q = jnp.log(jnp.where(valid, q_m, 1.0))
        batch_kl = batch_kl + jnp.sum(jnp.where(valid, p_m * (log_p - log_q), 0.0))
    loss_knn = batch_kl / B
    # L2 regularization of model parameters
    loss_reg = (jnp.sum(W ** 2) + jnp.sum(b ** 2)) / 2.0
    total = ALPHA * loss_dist + BETA * loss_knn + LAMB * loss_reg
    return (total, loss_dist, loss_knn)

if __name__ == "__main__":
    import jax
    _d = setup_inputs()
    print(jax.jit(kernel)(*tuple(_d.values())))

</pallas_src>

<mosaic_0001>
#map = affine_map<(d0, d1) -> (0)>
#map1 = affine_map<(d0, d1) -> (0, 0)>
module attributes {stable_mosaic.version = 14 : i64} {
  func.func @_sc_gather_kernel(%arg0: i32, %arg1: i32, %arg2: memref<128xi32, #tpu.memory_space<hbm>>, %arg3: memref<10000x128xi32, #tpu.memory_space<hbm>>, %arg4: memref<10000x128xf32, #tpu.memory_space<hbm>>, %arg5: memref<128x128xi32, #tpu.memory_space<hbm>>, %arg6: memref<128x128xf32, #tpu.memory_space<hbm>>, %arg7: memref<8xi32, #tpu.memory_space<vmem>>, %arg8: memref<8x128xi32, #tpu.memory_space<vmem>>, %arg9: memref<8x128xf32, #tpu.memory_space<vmem>>, %arg10: memref<!tpu.dma_semaphore, #tpu.memory_space<semaphore_mem>>, %arg11: memref<!tpu.dma_semaphore, #tpu.memory_space<semaphore_mem>>) attributes {dimension_semantics = [#tpu.dimension_semantics<core_parallel>, #tpu.dimension_semantics<subcore_parallel>], iteration_bounds = array<i64: 2, 16>, scalar_prefetch = 0 : i64, scratch_operands = 5 : i64, tpu.core_type = #tpu.core_type<sc_vector_subcore>, window_params = [{transform_indices = #map}, {transform_indices = #map1}, {transform_indices = #map1}, {transform_indices = #map1}, {transform_indices = #map1}]} {
    %mul3A = arith.constant 2 : i32
    %mul3A_0 = arith.muli %arg1, %mul3A : i32
    %add3A = arith.addi %mul3A_0, %arg0 : i32
    %lt3A = arith.constant 16 : i32
    %lt3A_1 = arith.cmpi slt, %add3A, %lt3A : i32
    %convert_element_type3A = arith.extui %lt3A_1 : i1 to i32
    %cond3A = arith.constant 0 : i32
    %cond3A_2 = arith.cmpi ne, %convert_element_type3A, %cond3A : i32
    scf.if %cond3A_2 {
      %mul3A_3 = arith.constant 8 : i32
      %mul3A_4 = arith.muli %add3A, %mul3A_3 : i32
      "tpu.region"() ({
        %run_scoped3A = tpu.sem_alloc : memref<!tpu.dma_semaphore, #tpu.memory_space<semaphore_mem>>
        %dma_start3A_15 = tpu.memref_slice %arg2[%mul3A_4] : memref<128xi32, #tpu.memory_space<hbm>> -> memref<8xi32, #tpu.memory_space<hbm>>
        %dma_start3A_16 = tpu.memref_slice %arg2[%mul3A_4] : memref<128xi32, #tpu.memory_space<hbm>> -> memref<8xi32, #tpu.memory_space<hbm>>
        tpu.enqueue_dma source(%dma_start3A_16 : memref<8xi32, #tpu.memory_space<hbm>>) target(%arg7 : memref<8xi32, #tpu.memory_space<vmem>>) target_semaphore(%run_scoped3A : memref<!tpu.dma_semaphore, #tpu.memory_space<semaphore_mem>>)
        %dma_wait3A_17 = tpu.memref_slice %arg2[%mul3A_4] : memref<128xi32, #tpu.memory_space<hbm>> -> memref<8xi32, #tpu.memory_space<hbm>>
        %dma_wait3A_18 = tpu.memref_slice %arg2[%mul3A_4] : memref<128xi32, #tpu.memory_space<hbm>> -> memref<8xi32, #tpu.memory_space<hbm>>
        tpu.wait_dma2 semaphore(%run_scoped3A : memref<!tpu.dma_semaphore, #tpu.memory_space<semaphore_mem>>) src(%dma_wait3A_18 : memref<8xi32, #tpu.memory_space<hbm>>) dst(%arg7 : memref<8xi32, #tpu.memory_space<vmem>>)
        tpu.yield
      }) : () -> ()
      %dma_start3A = arith.constant 0 : i32
      %dma_start3A_5 = arith.constant 0 : i32
      %dma_start3A_6 = tpu.memref_slice %arg3[%dma_start3A, %dma_start3A_5] : memref<10000x128xi32, #tpu.memory_space<hbm>> -> memref<10000x128xi32, #tpu.memory_space<hbm>>
      tpu.enqueue_indirect_dma source(%dma_start3A_6 : memref<10000x128xi32, #tpu.memory_space<hbm>>) target(%arg8 : memref<8x128xi32, #tpu.memory_space<vmem>>) offsets(%arg7 : memref<8xi32, #tpu.memory_space<vmem>>) semaphore(%arg10 : memref<!tpu.dma_semaphore, #tpu.memory_space<semaphore_mem>>)
      %dma_wait3A = arith.constant 0 : i32
      %dma_wait3A_7 = arith.constant 0 : i32
      %dma_wait3A_8 = tpu.memref_slice %arg3[%dma_wait3A, %dma_wait3A_7] : memref<10000x128xi32, #tpu.memory_space<hbm>> -> memref<10000x128xi32, #tpu.memory_space<hbm>>
      tpu.wait_indirect_dma semaphore(%arg10 : memref<!tpu.dma_semaphore, #tpu.memory_space<semaphore_mem>>) src(%dma_wait3A_8 : memref<10000x128xi32, #tpu.memory_space<hbm>>) dst(%arg8 : memref<8x128xi32, #tpu.memory_space<vmem>>)
      %dma_start3A_9 = arith.constant 0 : i32
      %dma_start3A_10 = arith.constant 0 : i32
      %dma_start3A_11 = tpu.memref_slice %arg4[%dma_start3A_9, %dma_start3A_10] : memref<10000x128xf32, #tpu.memory_space<hbm>> -> memref<10000x128xf32, #tpu.memory_space<hbm>>
      tpu.enqueue_indirect_dma source(%dma_start3A_11 : memref<10000x128xf32, #tpu.memory_space<hbm>>) target(%arg9 : memref<8x128xf32, #tpu.memory_space<vmem>>) offsets(%arg7 : memref<8xi32, #tpu.memory_space<vmem>>) semaphore(%arg11 : memref<!tpu.dma_semaphore, #tpu.memory_space<semaphore_mem>>)
      %dma_wait3A_12 = arith.constant 0 : i32
      %dma_wait3A_13 = arith.constant 0 : i32
      %dma_wait3A_14 = tpu.memref_slice %arg4[%dma_wait3A_12, %dma_wait3A_13] : memref<10000x128xf32, #tpu.memory_space<hbm>> -> memref<10000x128xf32, #tpu.memory_space<hbm>>
      tpu.wait_indirect_dma semaphore(%arg11 : memref<!tpu.dma_semaphore, #tpu.memory_space<semaphore_mem>>) src(%dma_wait3A_14 : memref<10000x128xf32, #tpu.memory_space<hbm>>) dst(%arg9 : memref<8x128xf32, #tpu.memory_space<vmem>>)
      "tpu.region"() ({
        %run_scoped3A = tpu.sem_alloc : memref<!tpu.dma_semaphore, #tpu.memory_space<semaphore_mem>>
        %dma_start3A_15 = arith.constant 0 : i32
        %dma_start3A_16 = tpu.memref_slice %arg5[%mul3A_4, %dma_start3A_15] : memref<128x128xi32, #tpu.memory_space<hbm>> -> memref<8x128xi32, #tpu.memory_space<hbm>>
        %dma_start3A_17 = arith.constant 0 : i32
        %dma_start3A_18 = tpu.memref_slice %arg5[%mul3A_4, %dma_start3A_17] : memref<128x128xi32, #tpu.memory_space<hbm>> -> memref<8x128xi32, #tpu.memory_space<hbm>>
        tpu.enqueue_dma source(%arg8 : memref<8x128xi32, #tpu.memory_space<vmem>>) target(%dma_start3A_18 : memref<8x128xi32, #tpu.memory_space<hbm>>) target_semaphore(%run_scoped3A : memref<!tpu.dma_semaphore, #tpu.memory_space<semaphore_mem>>)
        %dma_wait3A_19 = arith.constant 0 : i32
        %dma_wait3A_20 = tpu.memref_slice %arg5[%mul3A_4, %dma_wait3A_19] : memref<128x128xi32, #tpu.memory_space<hbm>> -> memref<8x128xi32, #tpu.memory_space<hbm>>
        %dma_wait3A_21 = arith.constant 0 : i32
        %dma_wait3A_22 = tpu.memref_slice %arg5[%mul3A_4, %dma_wait3A_21] : memref<128x128xi32, #tpu.memory_space<hbm>> -> memref<8x128xi32, #tpu.memory_space<hbm>>
        tpu.wait_dma2 semaphore(%run_scoped3A : memref<!tpu.dma_semaphore, #tpu.memory_space<semaphore_mem>>) src(%arg8 : memref<8x128xi32, #tpu.memory_space<vmem>>) dst(%dma_wait3A_22 : memref<8x128xi32, #tpu.memory_space<hbm>>)
        tpu.yield
      }) : () -> ()
      "tpu.region"() ({
        %run_scoped3A = tpu.sem_alloc : memref<!tpu.dma_semaphore, #tpu.memory_space<semaphore_mem>>
        %dma_start3A_15 = arith.constant 0 : i32
        %dma_start3A_16 = tpu.memref_slice %arg6[%mul3A_4, %dma_start3A_15] : memref<128x128xf32, #tpu.memory_space<hbm>> -> memref<8x128xf32, #tpu.memory_space<hbm>>
        %dma_start3A_17 = arith.constant 0 : i32
        %dma_start3A_18 = tpu.memref_slice %arg6[%mul3A_4, %dma_start3A_17] : memref<128x128xf32, #tpu.memory_space<hbm>> -> memref<8x128xf32, #tpu.memory_space<hbm>>
        tpu.enqueue_dma source(%arg9 : memref<8x128xf32, #tpu.memory_space<vmem>>) target(%dma_start3A_18 : memref<8x128xf32, #tpu.memory_space<hbm>>) target_semaphore(%run_scoped3A : memref<!tpu.dma_semaphore, #tpu.memory_space<semaphore_mem>>)
        %dma_wait3A_19 = arith.constant 0 : i32
        %dma_wait3A_20 = tpu.memref_slice %arg6[%mul3A_4, %dma_wait3A_19] : memref<128x128xf32, #tpu.memory_space<hbm>> -> memref<8x128xf32, #tpu.memory_space<hbm>>
        %dma_wait3A_21 = arith.constant 0 : i32
        %dma_wait3A_22 = tpu.memref_slice %arg6[%mul3A_4, %dma_wait3A_21] : memref<128x128xf32, #tpu.memory_space<hbm>> -> memref<8x128xf32, #tpu.memory_space<hbm>>
        tpu.wait_dma2 semaphore(%run_scoped3A : memref<!tpu.dma_semaphore, #tpu.memory_space<semaphore_mem>>) src(%arg9 : memref<8x128xf32, #tpu.memory_space<vmem>>) dst(%dma_wait3A_22 : memref<8x128xf32, #tpu.memory_space<hbm>>)
        tpu.yield
      }) : () -> ()
    } else {
    }
    return
  }
}

module attributes {stable_mosaic.version = 14 : i64} {
  func.func @_knn_stats_kernel(%arg0: i32, %arg1: memref<128x64xf32, #tpu.memory_space<vmem>>, %arg2: memref<64x64xf32, #tpu.memory_space<vmem>>, %arg3: memref<1x64xf32, #tpu.memory_space<vmem>>, %arg4: memref<2000x64xf32, #tpu.memory_space<vmem>>, %arg5: memref<128x64xf32, #tpu.memory_space<vmem>>, %arg6: memref<64x64xf32, #tpu.memory_space<vmem>>, %arg7: memref<1x64xf32, #tpu.memory_space<vmem>>, %arg8: memref<16x128xf32, #tpu.memory_space<vmem>>, %arg9: memref<16x128xi32, #tpu.memory_space<vmem>>, %arg10: memref<2000x128xf32, #tpu.memory_space<vmem>>) attributes {dimension_semantics = [#tpu.dimension_semantics<arbitrary>], iteration_bounds = array<i64: 50>, scalar_prefetch = 0 : i64, scratch_operands = 1 : i64, tpu.core_type = #tpu.core_type<tc>, window_params = [{pipeline_mode = #tpu.pipeline_mode<synchronous>, transform_indices = @transform_0, window_bounds = array<i64: 128, 64>}, {pipeline_mode = #tpu.pipeline_mode<synchronous>, transform_indices = @transform_1, window_bounds = array<i64: 64, 64>}, {pipeline_mode = #tpu.pipeline_mode<synchronous>, transform_indices = @transform_2, window_bounds = array<i64: 1, 64>}, {transform_indices = @transform_3, window_bounds = array<i64: 2000, 64>}, {pipeline_mode = #tpu.pipeline_mode<synchronous>, transform_indices = @transform_4, window_bounds = array<i64: 128, 64>}, {pipeline_mode = #tpu.pipeline_mode<synchronous>, transform_indices = @transform_5, window_bounds = array<i64: 64, 64>}, {pipeline_mode = #tpu.pipeline_mode<synchronous>, transform_indices = @transform_6, window_bounds = array<i64: 1, 64>}, {pipeline_mode = #tpu.pipeline_mode<synchronous>, transform_indices = @transform_7, window_bounds = array<i64: 16, 128>}, {pipeline_mode = #tpu.pipeline_mode<synchronous>, transform_indices = @transform_8, window_bounds = array<i64: 16, 128>}]} {
    %eq3A = arith.constant 0 : i32
    %eq3A_0 = arith.cmpi eq, %arg0, %eq3A : i32
    %convert_element_type3A = arith.extui %eq3A_0 : i1 to i32
    %cond3A = arith.constant 0 : i32
    %cond3A_1 = arith.cmpi ne, %convert_element_type3A, %cond3A : i32
    scf.if %cond3A_1 {
      %get3A_37 = arith.constant 0 : index
      %get3A_38 = arith.constant 0 : index
      %get3A_39 = vector.load %arg1[%get3A_37, %get3A_38] : memref<128x64xf32, #tpu.memory_space<vmem>>, vector<128x64xf32>
      %get3A_40 = arith.constant 0 : index
      %get3A_41 = arith.constant 0 : index
      %get3A_42 = vector.load %arg2[%get3A_40, %get3A_41] : memref<64x64xf32, #tpu.memory_space<vmem>>, vector<64x64xf32>
      %dot_general3A_43 = arith.constant dense<0.000000e+00> : vector<128x64xf32>
      %dot_general3A_44 = tpu.matmul %get3A_39, %get3A_42, %dot_general3A_43 {dimension_numbers = #tpu.dot_dimension_numbers<[1], [0], [0], [1], [0, 0, 1, 1], [], []>, transpose_lhs_hint = false} : vector<128x64xf32>, vector<64x64xf32>, vector<128x64xf32> -> vector<128x64xf32>
      %get3A_45 = arith.constant 0 : index
      %get3A_46 = arith.constant 0 : index
      %get3A_47 = vector.load %arg3[%get3A_45, %get3A_46] : memref<1x64xf32, #tpu.memory_space<vmem>>, vector<1x64xf32>
      %add3A_48 = vector.broadcast %get3A_47 : vector<1x64xf32> to vector<128x64xf32>
      %add3A_49 = arith.addf %dot_general3A_44, %add3A_48 : vector<128x64xf32>
      %swap3A_50 = arith.constant 0 : index
      %swap3A_51 = arith.constant 0 : index
      %swap3A_52 = vector.load %arg5[%swap3A_50, %swap3A_51] : memref<128x64xf32, #tpu.memory_space<vmem>>, vector<128x64xf32>
      tpu.vector_store %arg5[%swap3A_50, %swap3A_51], %add3A_49 {strides = array<i32>} : memref<128x64xf32, #tpu.memory_space<vmem>>, vector<128x64xf32>,
      %broadcast_in_dim3A_53 = arith.constant 0.000000e+00 : f32
      %broadcast_in_dim3A_54 = vector.broadcast %broadcast_in_dim3A_53 : f32 to vector<64x64xf32>
      %swap3A_55 = arith.constant 0 : index
      %swap3A_56 = arith.constant 0 : index
      %swap3A_57 = vector.load %arg6[%swap3A_55, %swap3A_56] : memref<64x64xf32, #tpu.memory_space<vmem>>, vector<64x64xf32>
      tpu.vector_store %arg6[%swap3A_55, %swap3A_56], %broadcast_in_dim3A_54 {strides = array<i32>} : memref<64x64xf32, #tpu.memory_space<vmem>>, vector<64x64xf32>,
      %broadcast_in_dim3A_58 = arith.constant 0.000000e+00 : f32
      %broadcast_in_dim3A_59 = vector.broadcast %broadcast_in_dim3A_58 : f32 to vector<1x64xf32>
      %swap3A_60 = arith.constant 0 : index
      %swap3A_61 = arith.constant 0 : index
      %swap3A_62 = vector.load %arg7[%swap3A_60, %swap3A_61] : memref<1x64xf32, #tpu.memory_space<vmem>>, vector<1x64xf32>
      tpu.vector_store %arg7[%swap3A_60, %swap3A_61], %broadcast_in_dim3A_59 {strides = array<i32>} : memref<1x64xf32, #tpu.memory_space<vmem>>, vector<1x64xf32>,
      %broadcast_in_dim3A_63 = arith.constant 3.000000e+38 : f32
      %broadcast_in_dim3A_64 = vector.broadcast %broadcast_in_dim3A_63 : f32 to vector<16x128xf32>
      %swap3A_65 = arith.constant 0 : index
      %swap3A_66 = arith.constant 0 : index
      %swap3A_67 = vector.load %arg8[%swap3A_65, %swap3A_66] : memref<16x128xf32, #tpu.memory_space<vmem>>, vector<16x128xf32>
      tpu.vector_store %arg8[%swap3A_65, %swap3A_66], %broadcast_in_dim3A_64 {strides = array<i32>} : memref<16x128xf32, #tpu.memory_space<vmem>>, vector<16x128xf32>,
      %broadcast_in_dim3A_68 = arith.constant 0 : i32
      %broadcast_in_dim3A_69 = vector.broadcast %broadcast_in_dim3A_68 : i32 to vector<16x128xi32>
      %swap3A_70 = arith.constant 0 : index
      %swap3A_71 = arith.constant 0 : index
      %swap3A_72 = vector.load %arg9[%swap3A_70, %swap3A_71] : memref<16x128xi32, #tpu.memory_space<vmem>>, vector<16x128xi32>
      tpu.vector_store %arg9[%swap3A_70, %swap3A_71], %broadcast_in_dim3A_69 {strides = array<i32>} : memref<16x128xi32, #tpu.memory_space<vmem>>, vector<16x128xi32>,
    } else {
    }
    %get3A = arith.constant 0 : index
    %get3A_2 = arith.constant 0 : index
    %get3A_3 = vector.load %arg4[%get3A, %get3A_2] : memref<2000x64xf32, #tpu.memory_space<vmem>>, vector<2000x64xf32>
    %get3A_4 = arith.constant 0 : index
    %get3A_5 = arith.constant 0 : index
    %get3A_6 = vector.load %arg5[%get3A_4, %get3A_5] : memref<128x64xf32, #tpu.memory_space<vmem>>, vector<128x64xf32>
    %get3A_7 = arith.constant 0 : index
    %get3A_8 = arith.constant 0 : index
    %get3A_9 = vector.load %arg7[%get3A_7, %get3A_8] : memref<1x64xf32, #tpu.memory_space<vmem>>, vector<1x64xf32>
    %reduce_sum3A = arith.constant dense<0.000000e+00> : vector<64xf32>
    %reduce_sum3A_10 = vector.multi_reduction <add>, %get3A_3, %reduce_sum3A [0] : vector<2000x64xf32> to vector<64xf32>
    %broadcast_in_dim3A = vector.shape_cast %reduce_sum3A_10 : vector<64xf32> to vector<1x64xf32>
    %add3A = arith.addf %get3A_9, %broadcast_in_dim3A : vector<1x64xf32>
    %swap3A = arith.constant 0 : index
    %swap3A_11 = arith.constant 0 : index
    %swap3A_12 = vector.load %arg7[%swap3A, %swap3A_11] : memref<1x64xf32, #tpu.memory_space<vmem>>, vector<1x64xf32>
    tpu.vector_store %arg7[%swap3A, %swap3A_11], %add3A {strides = array<i32>} : memref<1x64xf32, #tpu.memory_space<vmem>>, vector<1x64xf32>,
    %get3A_13 = arith.constant 0 : index
    %get3A_14 = arith.constant 0 : index
    %get3A_15 = vector.load %arg6[%get3A_13, %get3A_14] : memref<64x64xf32, #tpu.memory_space<vmem>>, vector<64x64xf32>
    %dot_general3A = arith.constant dense<0.000000e+00> : vector<64x64xf32>
    %dot_general3A_16 = tpu.matmul %get3A_3, %get3A_3, %dot_general3A {dimension_numbers = #tpu.dot_dimension_numbers<[0], [0], [1], [1], [0, 1, 1, 1], [], []>, transpose_lhs_hint = false} : vector<2000x64xf32>, vector<2000x64xf32>, vector<64x64xf32> -> vector<64x64xf32>
    %add3A_17 = arith.addf %get3A_15, %dot_general3A_16 : vector<64x64xf32>
    %swap3A_18 = arith.constant 0 : index
    %swap3A_19 = arith.constant 0 : index
    %swap3A_20 = vector.load %arg6[%swap3A_18, %swap3A_19] : memref<64x64xf32, #tpu.memory_space<vmem>>, vector<64x64xf32>
    tpu.vector_store %arg6[%swap3A_18, %swap3A_19], %add3A_17 {strides = array<i32>} : memref<64x64xf32, #tpu.memory_space<vmem>>, vector<64x64xf32>,
    %mul3A = arith.mulf %get3A_3, %get3A_3 : vector<2000x64xf32>
    %reduce_sum3A_21 = arith.constant dense<0.000000e+00> : vector<2000xf32>
    %reduce_sum3A_22 = vector.multi_reduction <add>, %mul3A, %reduce_sum3A_21 [1] : vector<2000x64xf32> to vector<2000xf32>
    %broadcast_in_dim3A_23 = vector.shape_cast %reduce_sum3A_22 : vector<2000xf32> to vector<2000x1xf32>
    %dot_general3A_24 = arith.constant dense<0.000000e+00> : vector<2000x128xf32>
    %dot_general3A_25 = tpu.matmul %get3A_3, %get3A_6, %dot_general3A_24 {dimension_numbers = #tpu.dot_dimension_numbers<[1], [1], [0], [0], [0, 0, 1, 0], [], []>, transpose_lhs_hint = false} : vector<2000x64xf32>, vector<128x64xf32>, vector<2000x128xf32> -> vector<2000x128xf32>
    %mul3A_26 = arith.constant 2.000000e+00 : f32
    %mul3A_27 = vector.broadcast %mul3A_26 : f32 to vector<2000x128xf32>
    %mul3A_28 = arith.mulf %mul3A_27, %dot_general3A_25 : vector<2000x128xf32>
    %sub3A = vector.broadcast %broadcast_in_dim3A_23 : vector<2000x1xf32> to vector<2000x128xf32>
    %sub3A_29 = arith.subf %sub3A, %mul3A_28 : vector<2000x128xf32>
    %swap3A_30 = arith.constant 0 : index
    %swap3A_31 = arith.constant 0 : index
    %swap3A_32 = vector.load %arg10[%swap3A_30, %swap3A_31] : memref<2000x128xf32, #tpu.memory_space<vmem>>, vector<2000x128xf32>
    tpu.vector_store %arg10[%swap3A_30, %swap3A_31], %sub3A_29 {strides = array<i32>} : memref<2000x128xf32, #tpu.memory_space<vmem>>, vector<2000x128xf32>,
    %scan3A = arith.constant 0 : i32
    %scan3A_33 = arith.constant 10 : i32
    %scan3A_34 = arith.addi %scan3A, %scan3A_33 : i32
    %scan3A_35 = arith.constant 1 : i32
    scf.for %scan3A_37 = %scan3A to %scan3A_34 step %scan3A_35  : i32 {
      %mul3A_38 = arith.constant 200 : i32
      %mul3A_39 = arith.muli %scan3A_37, %mul3A_38 : i32
      %get3A_40 = arith.index_cast %mul3A_39 : i32 to index
      %get3A_41 = arith.constant 0 : index
      %get3A_42 = vector.load %arg10[%get3A_40, %get3A_41] : memref<2000x128xf32, #tpu.memory_space<vmem>>, vector<200x128xf32>
      %get3A_43 = arith.constant 9 : index
      %get3A_44 = arith.constant 0 : index
      %get3A_45 = vector.load %arg8[%get3A_43, %get3A_44] : memref<16x128xf32, #tpu.memory_space<vmem>>, vector<1x128xf32>
      %lt3A = vector.broadcast %get3A_45 : vector<1x128xf32> to vector<200x128xf32>
      %lt3A_46 = arith.cmpf olt, %get3A_42, %lt3A : vector<200x128xf32>
      %convert_element_type3A_47 = arith.extui %lt3A_46 : vector<200x128xi1> to vector<200x128xi32>
      %reduce_sum3A_48 = arith.constant dense<0> : vector<128xi32>
      %reduce_sum3A_49 = vector.multi_reduction <add>, %convert_element_type3A_47, %reduce_sum3A_48 [0] : vector<200x128xi32> to vector<128xi32>
      %broadcast_in_dim3A_50 = vector.shape_cast %reduce_sum3A_49 : vector<128xi32> to vector<1x128xi32>
      %reduce_max3A = vector.shape_cast %broadcast_in_dim3A_50 : vector<1x128xi32> to vector<1x1x128xi32>
      %reduce_max3A_51 = arith.constant dense<-2147483648> : vector<1xi32>
      %reduce_max3A_52 = vector.multi_reduction <maxsi>, %reduce_max3A, %reduce_max3A_51 [1, 2] : vector<1x1x128xi32> to vector<1xi32>
      %reduce_max3A_53 = vector.shape_cast %reduce_max3A_52 : vector<1xi32> to vector<1x1x1xi32>
      %reduce_max3A_54 = vector.extract %reduce_max3A_53[0, 0, 0] : i32 from vector<1x1x1xi32>
      %min3A = arith.constant 10 : i32
      %min3A_55 = arith.minsi %reduce_max3A_54, %min3A : i32
      %gt3A = arith.constant 0 : i32
      %gt3A_56 = arith.cmpi sgt, %min3A_55, %gt3A : i32
      %convert_element_type3A_57 = arith.extui %gt3A_56 : i1 to i32
      %cond3A_58 = arith.constant 0 : i32
      %cond3A_59 = arith.cmpi ne, %convert_element_type3A_57, %cond3A_58 : i32
      scf.if %cond3A_59 {
        %iota3A = tpu.iota {dimensions = array<i32: 0>} : vector<200x128xi32>
        %mul3A_60 = arith.constant 2000 : i32
        %mul3A_61 = arith.muli %arg0, %mul3A_60 : i32
        %mul3A_62 = arith.constant 200 : i32
        %mul3A_63 = arith.muli %scan3A_37, %mul3A_62 : i32
        %add3A_64 = arith.addi %mul3A_61, %mul3A_63 : i32
        %add3A_65 = vector.broadcast %add3A_64 : i32 to vector<200x128xi32>
        %add3A_66 = arith.addi %iota3A, %add3A_65 : vector<200x128xi32>
        %iota3A_67 = tpu.iota {dimensions = array<i32: 0>} : vector<16x128xi32>
        %broadcast_in_dim3A_68 = arith.constant 3.000000e+38 : f32
        %broadcast_in_dim3A_69 = vector.broadcast %broadcast_in_dim3A_68 : f32 to vector<16x128xf32>
        %broadcast_in_dim3A_70 = arith.constant 0 : i32
        %broadcast_in_dim3A_71 = vector.broadcast %broadcast_in_dim3A_70 : i32 to vector<16x128xi32>
        %while3A = arith.constant 0 : i32
        %while3A_72 = arith.subi %min3A_55, %while3A : i32
        %while3A_73 = arith.addi %while3A, %while3A_72 : i32
        %while3A_74 = arith.constant 1 : i32
        %while3A_75 = arith.divsi %while3A_72, %while3A_74 : i32
        %while3A_76 = arith.muli %while3A_75, %while3A_74 : i32
        %while3A_77 = arith.addi %while3A, %while3A_76 : i32
        %while3A_78 = arith.constant 1 : i32
        %while3A_79:3 = scf.for %while3A_316 = %while3A to %while3A_77 step %while3A_78 iter_args(%while3A_317 = %get3A_42, %while3A_318 = %broadcast_in_dim3A_69, %while3A_319 = %broadcast_in_dim3A_71) -> (vector<200x128xf32>, vector<16x128xf32>, vector<16x128xi32>)  : i32 {
          %reduce_min3A_320 = arith.constant dense<0x7F800000> : vector<128xf32>
          %reduce_min3A_321 = vector.multi_reduction <minimumf>, %while3A_317, %reduce_min3A_320 [0] : vector<200x128xf32> to vector<128xf32>
          %broadcast_in_dim3A_322 = vector.shape_cast %reduce_min3A_321 : vector<128xf32> to vector<1x128xf32>
          %eq3A_323 = vector.broadcast %broadcast_in_dim3A_322 : vector<1x128xf32> to vector<200x128xf32>
          %eq3A_324 = arith.cmpf oeq, %while3A_317, %eq3A_323 : vector<200x128xf32>
          %jit3A_325 = arith.constant 1073741824 : i32
          %broadcast_in_dim3A_326 = vector.broadcast %jit3A_325 : i32 to vector<200x128xi32>
          %select_n3A_327 = arith.select %eq3A_324, %add3A_66, %broadcast_in_dim3A_326 : vector<200x128xi1>, vector<200x128xi32>
          %reduce_min3A_328 = arith.constant dense<2147483647> : vector<128xi32>
          %reduce_min3A_329 = vector.multi_reduction <minsi>, %select_n3A_327, %reduce_min3A_328 [0] : vector<200x128xi32> to vector<128xi32>
          %broadcast_in_dim3A_330 = vector.shape_cast %reduce_min3A_329 : vector<128xi32> to vector<1x128xi32>
          %eq3A_331 = vector.broadcast %broadcast_in_dim3A_322 : vector<1x128xf32> to vector<200x128xf32>
          %eq3A_332 = arith.cmpf oeq, %while3A_317, %eq3A_331 : vector<200x128xf32>
          %eq3A_333 = vector.broadcast %broadcast_in_dim3A_330 : vector<1x128xi32> to vector<200x128xi32>
          %eq3A_334 = arith.cmpi eq, %add3A_66, %eq3A_333 : vector<200x128xi32>
          %and3A = arith.andi %eq3A_332, %eq3A_334 : vector<200x128xi1>
          %jit3A_335 = arith.constant 3.000000e+38 : f32
          %broadcast_in_dim3A_336 = vector.broadcast %jit3A_335 : f32 to vector<200x128xf32>
          %select_n3A_337 = arith.select %and3A, %broadcast_in_dim3A_336, %while3A_317 : vector<200x128xi1>, vector<200x128xf32>
          %eq3A_338 = vector.broadcast %while3A_316 : i32 to vector<16x128xi32>
          %eq3A_339 = arith.cmpi eq, %iota3A_67, %eq3A_338 : vector<16x128xi32>
          %broadcast_in_dim3A_340 = vector.shape_cast %broadcast_in_dim3A_322 : vector<1x128xf32> to vector<1x128xf32>
          %broadcast_in_dim3A_341 = vector.broadcast %broadcast_in_dim3A_340 : vector<1x128xf32> to vector<16x128xf32>
          %select_n3A_342 = arith.select %eq3A_339, %broadcast_in_dim3A_341, %while3A_318 : vector<16x128xi1>, vector<16x128xf32>
          %eq3A_343 = vector.broadcast %while3A_316 : i32 to vector<16x128xi32>
          %eq3A_344 = arith.cmpi eq, %iota3A_67, %eq3A_343 : vector<16x128xi32>
          %broadcast_in_dim3A_345 = vector.shape_cast %broadcast_in_dim3A_330 : vector<1x128xi32> to vector<1x128xi32>
          %broadcast_in_dim3A_346 = vector.broadcast %broadcast_in_dim3A_345 : vector<1x128xi32> to vector<16x128xi32>
          %select_n3A_347 = arith.select %eq3A_344, %broadcast_in_dim3A_346, %while3A_319 : vector<16x128xi1>, vector<16x128xi32>
          scf.yield %select_n3A_337, %select_n3A_342, %select_n3A_347 : vector<200x128xf32>, vector<16x128xf32>, vector<16x128xi32>
        }
        %while3A_80 = arith.constant 1 : i32
        %while3A_81:3 = scf.for %while3A_316 = %while3A_77 to %while3A_73 step %while3A_80 iter_args(%while3A_317 = %while3A_79#0, %while3A_318 = %while3A_79#1, %while3A_319 = %while3A_79#2) -> (vector<200x128xf32>, vector<16x128xf32>, vector<16x128xi32>)  : i32 {
          %reduce_min3A_320 = arith.constant dense<0x7F800000> : vector<128xf32>
          %reduce_min3A_321 = vector.multi_reduction <minimumf>, %while3A_317, %reduce_min3A_320 [0] : vector<200x128xf32> to vector<128xf32>
          %broadcast_in_dim3A_322 = vector.shape_cast %reduce_min3A_321 : vector<128xf32> to vector<1x128xf32>
          %eq3A_323 = vector.broadcast %broadcast_in_dim3A_322 : vector<1x128xf32> to vector<200x128xf32>
          %eq3A_324 = arith.cmpf oeq, %while3A_317, %eq3A_323 : vector<200x128xf32>
          %jit3A_325 = arith.constant 1073741824 : i32
          %broadcast_in_dim3A_326 = vector.broadcast %jit3A_325 : i32 to vector<200x128xi32>
          %select_n3A_327 = arith.select %eq3A_324, %add3A_66, %broadcast_in_dim3A_326 : vector<200x128xi1>, vector<200x128xi32>
          %reduce_min3A_328 = arith.constant dense<2147483647> : vector<128xi32>
          %reduce_min3A_329 = vector.multi_reduction <minsi>, %select_n3A_327, %reduce_min3A_328 [0] : vector<200x128xi32> to vector<128xi32>
          %broadcast_in_dim3A_330 = vector.shape_cast %reduce_min3A_329 : vector<128xi32> to vector<1x128xi32>
          %eq3A_331 = vector.broadcast %broadcast_in_dim3A_322 : vector<1x128xf32> to vector<200x128xf32>
          %eq3A_332 = arith.cmpf oeq, %while3A_317, %eq3A_331 : vector<200x128xf32>
          %eq3A_333 = vector.broadcast %broadcast_in_dim3A_330 : vector<1x128xi32> to vector<200x128xi32>
          %eq3A_334 = arith.cmpi eq, %add3A_66, %eq3A_333 : vector<200x128xi32>
          %and3A = arith.andi %eq3A_332, %eq3A_334 : vector<200x128xi1>
          %jit3A_335 = arith.constant 3.000000e+38 : f32
          %broadcast_in_dim3A_336 = vector.broadcast %jit3A_335 : f32 to vector<200x128xf32>
          %select_n3A_337 = arith.select %and3A, %broadcast_in_dim3A_336, %while3A_317 : vector<200x128xi1>, vector<200x128xf32>
          %eq3A_338 = vector.broadcast %while3A_316 : i32 to vector<16x128xi32>
          %eq3A_339 = arith.cmpi eq, %iota3A_67, %eq3A_338 : vector<16x128xi32>
          %broadcast_in_dim3A_340 = vector.shape_cast %broadcast_in_dim3A_322 : vector<1x128xf32> to vector<1x128xf32>
          %broadcast_in_dim3A_341 = vector.broadcast %broadcast_in_dim3A_340 : vector<1x128xf32> to vector<16x128xf32>
          %select_n3A_342 = arith.select %eq3A_339, %broadcast_in_dim3A_341, %while3A_318 : vector<16x128xi1>, vector<16x128xf32>
          %eq3A_343 = vector.broadcast %while3A_316 : i32 to vector<16x128xi32>
          %eq3A_344 = arith.cmpi eq, %iota3A_67, %eq3A_343 : vector<16x128xi32>
          %broadcast_in_dim3A_345 = vector.shape_cast %broadcast_in_dim3A_330 : vector<1x128xi32> to vector<1x128xi32>
          %broadcast_in_dim3A_346 = vector.broadcast %broadcast_in_dim3A_345 : vector<1x128xi32> to vector<16x128xi32>
          %select_n3A_347 = arith.select %eq3A_344, %broadcast_in_dim3A_346, %while3A_319 : vector<16x128xi1>, vector<16x128xi32>
          scf.yield %select_n3A_337, %select_n3A_342, %select_n3A_347 : vector<200x128xf32>, vector<16x128xf32>, vector<16x128xi32>
        }
        %get3A_82 = arith.constant 0 : index
        %get3A_83 = arith.constant 0 : index
        %get3A_84 = vector.load %arg8[%get3A_82, %get3A_83] : memref<16x128xf32, #tpu.memory_space<vmem>>, vector<16x128xf32>
        %concatenate3A = tpu.concatenate %get3A_84, %while3A_81#1 in 0 : vector<16x128xf32>, vector<16x128xf32> -> vector<32x128xf32>
        %get3A_85 = arith.constant 0 : index
        %get3A_86 = arith.constant 0 : index
        %get3A_87 = vector.load %arg9[%get3A_85, %get3A_86] : memref<16x128xi32, #tpu.memory_space<vmem>>, vector<16x128xi32>
        %concatenate3A_88 = tpu.concatenate %get3A_87, %while3A_81#2 in 0 : vector<16x128xi32>, vector<16x128xi32> -> vector<32x128xi32>
        %iota3A_89 = tpu.iota {dimensions = array<i32: 0>} : vector<32x128xi32>
        %reduce_min3A = arith.constant dense<0x7F800000> : vector<128xf32>
        %reduce_min3A_90 = vector.multi_reduction <minimumf>, %concatenate3A, %reduce_min3A [0] : vector<32x128xf32> to vector<128xf32>
        %broadcast_in_dim3A_91 = vector.shape_cast %reduce_min3A_90 : vector<128xf32> to vector<1x128xf32>
        %eq3A_92 = vector.broadcast %broadcast_in_dim3A_91 : vector<1x128xf32> to vector<32x128xf32>
        %eq3A_93 = arith.cmpf oeq, %concatenate3A, %eq3A_92 : vector<32x128xf32>
        %jit3A = arith.constant 1073741824 : i32
        %broadcast_in_dim3A_94 = vector.broadcast %jit3A : i32 to vector<32x128xi32>
        %select_n3A = arith.select %eq3A_93, %iota3A_89, %broadcast_in_dim3A_94 : vector<32x128xi1>, vector<32x128xi32>
        %reduce_min3A_95 = arith.constant dense<2147483647> : vector<128xi32>
        %reduce_min3A_96 = vector.multi_reduction <minsi>, %select_n3A, %reduce_min3A_95 [0] : vector<32x128xi32> to vector<128xi32>
        %broadcast_in_dim3A_97 = vector.shape_cast %reduce_min3A_96 : vector<128xi32> to vector<1x128xi32>
        %eq3A_98 = vector.broadcast %broadcast_in_dim3A_97 : vector<1x128xi32> to vector<32x128xi32>
        %eq3A_99 = arith.cmpi eq, %iota3A_89, %eq3A_98 : vector<32x128xi32>
        %jit3A_100 = arith.constant 0 : i32
        %broadcast_in_dim3A_101 = vector.broadcast %jit3A_100 : i32 to vector<32x128xi32>
        %select_n3A_102 = arith.select %eq3A_99, %concatenate3A_88, %broadcast_in_dim3A_101 : vector<32x128xi1>, vector<32x128xi32>
        %reduce_sum3A_103 = arith.constant dense<0> : vector<128xi32>
        %reduce_sum3A_104 = vector.multi_reduction <add>, %select_n3A_102, %reduce_sum3A_103 [0] : vector<32x128xi32> to vector<128xi32>
        %broadcast_in_dim3A_105 = vector.shape_cast %reduce_sum3A_104 : vector<128xi32> to vector<1x128xi32>
        %jit3A_106 = arith.constant 3.000000e+38 : f32
        %broadcast_in_dim3A_107 = vector.broadcast %jit3A_106 : f32 to vector<32x128xf32>
        %select_n3A_108 = arith.select %eq3A_99, %broadcast_in_dim3A_107, %concatenate3A : vector<32x128xi1>, vector<32x128xf32>
        %reduce_min3A_109 = arith.constant dense<0x7F800000> : vector<128xf32>
        %reduce_min3A_110 = vector.multi_reduction <minimumf>, %select_n3A_108, %reduce_min3A_109 [0] : vector<32x128xf32> to vector<128xf32>
        %broadcast_in_dim3A_111 = vector.shape_cast %reduce_min3A_110 : vector<128xf32> to vector<1x128xf32>
        %eq3A_112 = vector.broadcast %broadcast_in_dim3A_111 : vector<1x128xf32> to vector<32x128xf32>
        %eq3A_113 = arith.cmpf oeq, %select_n3A_108, %eq3A_112 : vector<32x128xf32>
        %jit3A_114 = arith.constant 1073741824 : i32
        %broadcast_in_dim3A_115 = vector.broadcast %jit3A_114 : i32 to vector<32x128xi32>
        %select_n3A_116 = arith.select %eq3A_113, %iota3A_89, %broadcast_in_dim3A_115 : vector<32x128xi1>, vector<32x128xi32>
        %reduce_min3A_117 = arith.constant dense<2147483647> : vector<128xi32>
        %reduce_min3A_118 = vector.multi_reduction <minsi>, %select_n3A_116, %reduce_min3A_117 [0] : vector<32x128xi32> to vector<128xi32>
        %broadcast_in_dim3A_119 = vector.shape_cast %reduce_min3A_118 : vector<128xi32> to vector<1x128xi32>
        %eq3A_120 = vector.broadcast %broadcast_in_dim3A_119 : vector<1x128xi32> to vector<32x128xi32>
        %eq3A_121 = arith.cmpi eq, %iota3A_89, %eq3A_120 : vector<32x128xi32>
        %jit3A_122 = arith.constant 0 : i32
        %broadcast_in_dim3A_123 = vector.broadcast %jit3A_122 : i32 to vector<32x128xi32>
        %select_n3A_124 = arith.select %eq3A_121, %concatenate3A_88, %broadcast_in_dim3A_123 : vector<32x128xi1>, vector<32x128xi32>
        %reduce_sum3A_125 = arith.constant dense<0> : vector<128xi32>
        %reduce_sum3A_126 = vector.multi_reduction <add>, %select_n3A_124, %reduce_sum3A_125 [0] : vector<32x128xi32> to vector<128xi32>
        %broadcast_in_dim3A_127 = vector.shape_cast %reduce_sum3A_126 : vector<128xi32> to vector<1x128xi32>
        %jit3A_128 = arith.constant 3.000000e+38 : f32
        %broadcast_in_dim3A_129 = vector.broadcast %jit3A_128 : f32 to vector<32x128xf32>
        %select_n3A_130 = arith.select %eq3A_121, %broadcast_in_dim3A_129, %select_n3A_108 : vector<32x128xi1>, vector<32x128xf32>
        %reduce_min3A_131 = arith.constant dense<0x7F800000> : vector<128xf32>
        %reduce_min3A_132 = vector.multi_reduction <minimumf>, %select_n3A_130, %reduce_min3A_131 [0] : vector<32x128xf32> to vector<128xf32>
        %broadcast_in_dim3A_133 = vector.shape_cast %reduce_min3A_132 : vector<128xf32> to vector<1x128xf32>
        %eq3A_134 = vector.broadcast %broadcast_in_dim3A_133 : vector<1x128xf32> to vector<32x128xf32>
        %eq3A_135 = arith.cmpf oeq, %select_n3A_130, %eq3A_134 : vector<32x128xf32>
        %jit3A_136 = arith.constant 1073741824 : i32
        %broadcast_in_dim3A_137 = vector.broadcast %jit3A_136 : i32 to vector<32x128xi32>
        %select_n3A_138 = arith.select %eq3A_135, %iota3A_89, %broadcast_in_dim3A_137 : vector<32x128xi1>, vector<32x128xi32>
        %reduce_min3A_139 = arith.constant dense<2147483647> : vector<128xi32>
        %reduce_min3A_140 = vector.multi_reduction <minsi>, %select_n3A_138, %reduce_min3A_139 [0] : vector<32x128xi32> to vector<128xi32>
        %broadcast_in_dim3A_141 = vector.shape_cast %reduce_min3A_140 : vector<128xi32> to vector<1x128xi32>
        %eq3A_142 = vector.broadcast %broadcast_in_dim3A_141 : vector<1x128xi32> to vector<32x128xi32>
        %eq3A_143 = arith.cmpi eq, %iota3A_89, %eq3A_142 : vector<32x128xi32>
        %jit3A_144 = arith.constant 0 : i32
        %broadcast_in_dim3A_145 = vector.broadcast %jit3A_144 : i32 to vector<32x128xi32>
        %select_n3A_146 = arith.select %eq3A_143, %concatenate3A_88, %broadcast_in_dim3A_145 : vector<32x128xi1>, vector<32x128xi32>
        %reduce_sum3A_147 = arith.constant dense<0> : vector<128xi32>
        %reduce_sum3A_148 = vector.multi_reduction <add>, %select_n3A_146, %reduce_sum3A_147 [0] : vector<32x128xi32> to vector<128xi32>
        %broadcast_in_dim3A_149 = vector.shape_cast %reduce_sum3A_148 : vector<128xi32> to vector<1x128xi32>
        %jit3A_150 = arith.constant 3.000000e+38 : f32
        %broadcast_in_dim3A_151 = vector.broadcast %jit3A_150 : f32 to vector<32x128xf32>
        %select_n3A_152 = arith.select %eq3A_143, %broadcast_in_dim3A_151, %select_n3A_130 : vector<32x128xi1>, vector<32x128xf32>
        %reduce_min3A_153 = arith.constant dense<0x7F800000> : vector<128xf32>
        %reduce_min3A_154 = vector.multi_reduction <minimumf>, %select_n3A_152, %reduce_min3A_153 [0] : vector<32x128xf32> to vector<128xf32>
        %broadcast_in_dim3A_155 = vector.shape_cast %reduce_min3A_154 : vector<128xf32> to vector<1x128xf32>
        %eq3A_156 = vector.broadcast %broadcast_in_dim3A_155 : vector<1x128xf32> to vector<32x128xf32>
        %eq3A_157 = arith.cmpf oeq, %select_n3A_152, %eq3A_156 : vector<32x128xf32>
        %jit3A_158 = arith.constant 1073741824 : i32
        %broadcast_in_dim3A_159 = vector.broadcast %jit3A_158 : i32 to vector<32x128xi32>
        %select_n3A_160 = arith.select %eq3A_157, %iota3A_89, %broadcast_in_dim3A_159 : vector<32x128xi1>, vector<32x128xi32>
        %reduce_min3A_161 = arith.constant dense<2147483647> : vector<128xi32>
        %reduce_min3A_162 = vector.multi_reduction <minsi>, %select_n3A_160, %reduce_min3A_161 [0] : vector<32x128xi32> to vector<128xi32>
        %broadcast_in_dim3A_163 = vector.shape_cast %reduce_min3A_162 : vector<128xi32> to vector<1x128xi32>
        %eq3A_164 = vector.broadcast %broadcast_in_dim3A_163 : vector<1x128xi32> to vector<32x128xi32>
        %eq3A_165 = arith.cmpi eq, %iota3A_89, %eq3A_164 : vector<32x128xi32>
        %jit3A_166 = arith.constant 0 : i32
        %broadcast_in_dim3A_167 = vector.broadcast %jit3A_166 : i32 to vector<32x128xi32>
        %select_n3A_168 = arith.select %eq3A_165, %concatenate3A_88, %broadcast_in_dim3A_167 : vector<32x128xi1>, vector<32x128xi32>
        %reduce_sum3A_169 = arith.constant dense<0> : vector<128xi32>
        %reduce_sum3A_170 = vector.multi_reduction <add>, %select_n3A_168, %reduce_sum3A_169 [0] : vector<32x128xi32> to vector<128xi32>
        %broadcast_in_dim3A_171 = vector.shape_cast %reduce_sum3A_170 : vector<128xi32> to vector<1x128xi32>
        %jit3A_172 = arith.constant 3.000000e+38 : f32
        %broadcast_in_dim3A_173 = vector.broadcast %jit3A_172 : f32 to vector<32x128xf32>
        %select_n3A_174 = arith.select %eq3A_165, %broadcast_in_dim3A_173, %select_n3A_152 : vector<32x128xi1>, vector<32x128xf32>
        %reduce_min3A_175 = arith.constant dense<0x7F800000> : vector<128xf32>
        %reduce_min3A_176 = vector.multi_reduction <minimumf>, %select_n3A_174, %reduce_min3A_175 [0] : vector<32x128xf32> to vector<128xf32>
        %broadcast_in_dim3A_177 = vector.shape_cast %reduce_min3A_176 : vector<128xf32> to vector<1x128xf32>
        %eq3A_178 = vector.broadcast %broadcast_in_dim3A_177 : vector<1x128xf32> to vector<32x128xf32>
        %eq3A_179 = arith.cmpf oeq, %select_n3A_174, %eq3A_178 : vector<32x128xf32>
        %jit3A_180 = arith.constant 1073741824 : i32
        %broadcast_in_dim3A_181 = vector.broadcast %jit3A_180 : i32 to vector<32x128xi32>
        %select_n3A_182 = arith.select %eq3A_179, %iota3A_89, %broadcast_in_dim3A_181 : vector<32x128xi1>, vector<32x128xi32>
        %reduce_min3A_183 = arith.constant dense<2147483647> : vector<128xi32>
        %reduce_min3A_184 = vector.multi_reduction <minsi>, %select_n3A_182, %reduce_min3A_183 [0] : vector<32x128xi32> to vector<128xi32>
        %broadcast_in_dim3A_185 = vector.shape_cast %reduce_min3A_184 : vector<128xi32> to vector<1x128xi32>
        %eq3A_186 = vector.broadcast %broadcast_in_dim3A_185 : vector<1x128xi32> to vector<32x128xi32>
        %eq3A_187 = arith.cmpi eq, %iota3A_89, %eq3A_186 : vector<32x128xi32>
        %jit3A_188 = arith.constant 0 : i32
        %broadcast_in_dim3A_189 = vector.broadcast %jit3A_188 : i32 to vector<32x128xi32>
        %select_n3A_190 = arith.select %eq3A_187, %concatenate3A_88, %broadcast_in_dim3A_189 : vector<32x128xi1>, vector<32x128xi32>
        %reduce_sum3A_191 = arith.constant dense<0> : vector<128xi32>
        %reduce_sum3A_192 = vector.multi_reduction <add>, %select_n3A_190, %reduce_sum3A_191 [0] : vector<32x128xi32> to vector<128xi32>
        %broadcast_in_dim3A_193 = vector.shape_cast %reduce_sum3A_192 : vector<128xi32> to vector<1x128xi32>
        %jit3A_194 = arith.constant 3.000000e+38 : f32
        %broadcast_in_dim3A_195 = vector.broadcast %jit3A_194 : f32 to vector<32x128xf32>
        %select_n3A_196 = arith.select %eq3A_187, %broadcast_in_dim3A_195, %select_n3A_174 : vector<32x128xi1>, vector<32x128xf32>
        %reduce_min3A_197 = arith.constant dense<0x7F800000> : vector<128xf32>
        %reduce_min3A_198 = vector.multi_reduction <minimumf>, %select_n3A_196, %reduce_min3A_197 [0] : vector<32x128xf32> to vector<128xf32>
        %broadcast_in_dim3A_199 = vector.shape_cast %reduce_min3A_198 : vector<128xf32> to vector<1x128xf32>
        %eq3A_200 = vector.broadcast %broadcast_in_dim3A_199 : vector<1x128xf32> to vector<32x128xf32>
        %eq3A_201 = arith.cmpf oeq, %select_n3A_196, %eq3A_200 : vector<32x128xf32>
        %jit3A_202 = arith.constant 1073741824 : i32
        %broadcast_in_dim3A_203 = vector.broadcast %jit3A_202 : i32 to vector<32x128xi32>
        %select_n3A_204 = arith.select %eq3A_201, %iota3A_89, %broadcast_in_dim3A_203 : vector<32x128xi1>, vector<32x128xi32>
        %reduce_min3A_205 = arith.constant dense<2147483647> : vector<128xi32>
        %reduce_min3A_206 = vector.multi_reduction <minsi>, %select_n3A_204, %reduce_min3A_205 [0] : vector<32x128xi32> to vector<128xi32>
        %broadcast_in_dim3A_207 = vector.shape_cast %reduce_min3A_206 : vector<128xi32> to vector<1x128xi32>
        %eq3A_208 = vector.broadcast %broadcast_in_dim3A_207 : vector<1x128xi32> to vector<32x128xi32>
        %eq3A_209 = arith.cmpi eq, %iota3A_89, %eq3A_208 : vector<32x128xi32>
        %jit3A_210 = arith.constant 0 : i32
        %broadcast_in_dim3A_211 = vector.broadcast %jit3A_210 : i32 to vector<32x128xi32>
        %select_n3A_212 = arith.select %eq3A_209, %concatenate3A_88, %broadcast_in_dim3A_211 : vector<32x128xi1>, vector<32x128xi32>
        %reduce_sum3A_213 = arith.constant dense<0> : vector<128xi32>
        %reduce_sum3A_214 = vector.multi_reduction <add>, %select_n3A_212, %reduce_sum3A_213 [0] : vector<32x128xi32> to vector<128xi32>
        %broadcast_in_dim3A_215 = vector.shape_cast %reduce_sum3A_214 : vector<128xi32> to vector<1x128xi32>
        %jit3A_216 = arith.constant 3.000000e+38 : f32
        %broadcast_in_dim3A_217 = vector.broadcast %jit3A_216 : f32 to vector<32x128xf32>
        %select_n3A_218 = arith.select %eq3A_209, %broadcast_in_dim3A_217, %select_n3A_196 : vector<32x128xi1>, vector<32x128xf32>
        %reduce_min3A_219 = arith.constant dense<0x7F800000> : vector<128xf32>
        %reduce_min3A_220 = vector.multi_reduction <minimumf>, %select_n3A_218, %reduce_min3A_219 [0] : vector<32x128xf32> to vector<128xf32>
        %broadcast_in_dim3A_221 = vector.shape_cast %reduce_min3A_220 : vector<128xf32> to vector<1x128xf32>
        %eq3A_222 = vector.broadcast %broadcast_in_dim3A_221 : vector<1x128xf32> to vector<32x128xf32>
        %eq3A_223 = arith.cmpf oeq, %select_n3A_218, %eq3A_222 : vector<32x128xf32>
        %jit3A_224 = arith.constant 1073741824 : i32
        %broadcast_in_dim3A_225 = vector.broadcast %jit3A_224 : i32 to vector<32x128xi32>
        %select_n3A_226 = arith.select %eq3A_223, %iota3A_89, %broadcast_in_dim3A_225 : vector<32x128xi1>, vector<32x128xi32>
        %reduce_min3A_227 = arith.constant dense<2147483647> : vector<128xi32>
        %reduce_min3A_228 = vector.multi_reduction <minsi>, %select_n3A_226, %reduce_min3A_227 [0] : vector<32x128xi32> to vector<128xi32>
        %broadcast_in_dim3A_229 = vector.shape_cast %reduce_min3A_228 : vector<128xi32> to vector<1x128xi32>
        %eq3A_230 = vector.broadcast %broadcast_in_dim3A_229 : vector<1x128xi32> to vector<32x128xi32>
        %eq3A_231 = arith.cmpi eq, %iota3A_89, %eq3A_230 : vector<32x128xi32>
        %jit3A_232 = arith.constant 0 : i32
        %broadcast_in_dim3A_233 = vector.broadcast %jit3A_232 : i32 to vector<32x128xi32>
        %select_n3A_234 = arith.select %eq3A_231, %concatenate3A_88, %broadcast_in_dim3A_233 : vector<32x128xi1>, vector<32x128xi32>
        %reduce_sum3A_235 = arith.constant dense<0> : vector<128xi32>
        %reduce_sum3A_236 = vector.multi_reduction <add>, %select_n3A_234, %reduce_sum3A_235 [0] : vector<32x128xi32> to vector<128xi32>
        %broadcast_in_dim3A_237 = vector.shape_cast %reduce_sum3A_236 : vector<128xi32> to vector<1x128xi32>
        %jit3A_238 = arith.constant 3.000000e+38 : f32
        %broadcast_in_dim3A_239 = vector.broadcast %jit3A_238 : f32 to vector<32x128xf32>
        %select_n3A_240 = arith.select %eq3A_231, %broadcast_in_dim3A_239, %select_n3A_218 : vector<32x128xi1>, vector<32x128xf32>
        %reduce_min3A_241 = arith.constant dense<0x7F800000> : vector<128xf32>
        %reduce_min3A_242 = vector.multi_reduction <minimumf>, %select_n3A_240, %reduce_min3A_241 [0] : vector<32x128xf32> to vector<128xf32>
        %broadcast_in_dim3A_243 = vector.shape_cast %reduce_min3A_242 : vector<128xf32> to vector<1x128xf32>
        %eq3A_244 = vector.broadcast %broadcast_in_dim3A_243 : vector<1x128xf32> to vector<32x128xf32>
        %eq3A_245 = arith.cmpf oeq, %select_n3A_240, %eq3A_244 : vector<32x128xf32>
        %jit3A_246 = arith.constant 1073741824 : i32
        %broadcast_in_dim3A_247 = vector.broadcast %jit3A_246 : i32 to vector<32x128xi32>
        %select_n3A_248 = arith.select %eq3A_245, %iota3A_89, %broadcast_in_dim3A_247 : vector<32x128xi1>, vector<32x128xi32>
        %reduce_min3A_249 = arith.constant dense<2147483647> : vector<128xi32>
        %reduce_min3A_250 = vector.multi_reduction <minsi>, %select_n3A_248, %reduce_min3A_249 [0] : vector<32x128xi32> to vector<128xi32>
        %broadcast_in_dim3A_251 = vector.shape_cast %reduce_min3A_250 : vector<128xi32> to vector<1x128xi32>
        %eq3A_252 = vector.broadcast %broadcast_in_dim3A_251 : vector<1x128xi32> to vector<32x128xi32>
        %eq3A_253 = arith.cmpi eq, %iota3A_89, %eq3A_252 : vector<32x128xi32>
        %jit3A_254 = arith.constant 0 : i32
        %broadcast_in_dim3A_255 = vector.broadcast %jit3A_254 : i32 to vector<32x128xi32>
        %select_n3A_256 = arith.select %eq3A_253, %concatenate3A_88, %broadcast_in_dim3A_255 : vector<32x128xi1>, vector<32x128xi32>
        %reduce_sum3A_257 = arith.constant dense<0> : vector<128xi32>
        %reduce_sum3A_258 = vector.multi_reduction <add>, %select_n3A_256, %reduce_sum3A_257 [0] : vector<32x128xi32> to vector<128xi32>
        %broadcast_in_dim3A_259 = vector.shape_cast %reduce_sum3A_258 : vector<128xi32> to vector<1x128xi32>
        %jit3A_260 = arith.constant 3.000000e+38 : f32
        %broadcast_in_dim3A_261 = vector.broadcast %jit3A_260 : f32 to vector<32x128xf32>
        %select_n3A_262 = arith.select %eq3A_253, %broadcast_in_dim3A_261, %select_n3A_240 : vector<32x128xi1>, vector<32x128xf32>
        %reduce_min3A_263 = arith.constant dense<0x7F800000> : vector<128xf32>
        %reduce_min3A_264 = vector.multi_reduction <minimumf>, %select_n3A_262, %reduce_min3A_263 [0] : vector<32x128xf32> to vector<128xf32>
        %broadcast_in_dim3A_265 = vector.shape_cast %reduce_min3A_264 : vector<128xf32> to vector<1x128xf32>
        %eq3A_266 = vector.broadcast %broadcast_in_dim3A_265 : vector<1x128xf32> to vector<32x128xf32>
        %eq3A_267 = arith.cmpf oeq, %select_n3A_262, %eq3A_266 : vector<32x128xf32>
        %jit3A_268 = arith.constant 1073741824 : i32
        %broadcast_in_dim3A_269 = vector.broadcast %jit3A_268 : i32 to vector<32x128xi32>
        %select_n3A_270 = arith.select %eq3A_267, %iota3A_89, %broadcast_in_dim3A_269 : vector<32x128xi1>, vector<32x128xi32>
        %reduce_min3A_271 = arith.constant dense<2147483647> : vector<128xi32>
        %reduce_min3A_272 = vector.multi_reduction <minsi>, %select_n3A_270, %reduce_min3A_271 [0] : vector<32x128xi32> to vector<128xi32>
        %broadcast_in_dim3A_273 = vector.shape_cast %reduce_min3A_272 : vector<128xi32> to vector<1x128xi32>
        %eq3A_274 = vector.broadcast %broadcast_in_dim3A_273 : vector<1x128xi32> to vector<32x128xi32>
        %eq3A_275 = arith.cmpi eq, %iota3A_89, %eq3A_274 : vector<32x128xi32>
        %jit3A_276 = arith.constant 0 : i32
        %broadcast_in_dim3A_277 = vector.broadcast %jit3A_276 : i32 to vector<32x128xi32>
        %select_n3A_278 = arith.select %eq3A_275, %concatenate3A_88, %broadcast_in_dim3A_277 : vector<32x128xi1>, vector<32x128xi32>
        %reduce_sum3A_279 = arith.constant dense<0> : vector<128xi32>
        %reduce_sum3A_280 = vector.multi_reduction <add>, %select_n3A_278, %reduce_sum3A_279 [0] : vector<32x128xi32> to vector<128xi32>
        %broadcast_in_dim3A_281 = vector.shape_cast %reduce_sum3A_280 : vector<128xi32> to vector<1x128xi32>
        %jit3A_282 = arith.constant 3.000000e+38 : f32
        %broadcast_in_dim3A_283 = vector.broadcast %jit3A_282 : f32 to vector<32x128xf32>
        %select_n3A_284 = arith.select %eq3A_275, %broadcast_in_dim3A_283, %select_n3A_262 : vector<32x128xi1>, vector<32x128xf32>
        %reduce_min3A_285 = arith.constant dense<0x7F800000> : vector<128xf32>
        %reduce_min3A_286 = vector.multi_reduction <minimumf>, %select_n3A_284, %reduce_min3A_285 [0] : vector<32x128xf32> to vector<128xf32>
        %broadcast_in_dim3A_287 = vector.shape_cast %reduce_min3A_286 : vector<128xf32> to vector<1x128xf32>
        %eq3A_288 = vector.broadcast %broadcast_in_dim3A_287 : vector<1x128xf32> to vector<32x128xf32>
        %eq3A_289 = arith.cmpf oeq, %select_n3A_284, %eq3A_288 : vector<32x128xf32>
        %jit3A_290 = arith.constant 1073741824 : i32
        %broadcast_in_dim3A_291 = vector.broadcast %jit3A_290 : i32 to vector<32x128xi32>
        %select_n3A_292 = arith.select %eq3A_289, %iota3A_89, %broadcast_in_dim3A_291 : vector<32x128xi1>, vector<32x128xi32>
        %reduce_min3A_293 = arith.constant dense<2147483647> : vector<128xi32>
        %reduce_min3A_294 = vector.multi_reduction <minsi>, %select_n3A_292, %reduce_min3A_293 [0] : vector<32x128xi32> to vector<128xi32>
        %broadcast_in_dim3A_295 = vector.shape_cast %reduce_min3A_294 : vector<128xi32> to vector<1x128xi32>
        %eq3A_296 = vector.broadcast %broadcast_in_dim3A_295 : vector<1x128xi32> to vector<32x128xi32>
        %eq3A_297 = arith.cmpi eq, %iota3A_89, %eq3A_296 : vector<32x128xi32>
        %jit3A_298 = arith.constant 0 : i32
        %broadcast_in_dim3A_299 = vector.broadcast %jit3A_298 : i32 to vector<32x128xi32>
        %select_n3A_300 = arith.select %eq3A_297, %concatenate3A_88, %broadcast_in_dim3A_299 : vector<32x128xi1>, vector<32x128xi32>
        %reduce_sum3A_301 = arith.constant dense<0> : vector<128xi32>
        %reduce_sum3A_302 = vector.multi_reduction <add>, %select_n3A_300, %reduce_sum3A_301 [0] : vector<32x128xi32> to vector<128xi32>
        %broadcast_in_dim3A_303 = vector.shape_cast %reduce_sum3A_302 : vector<128xi32> to vector<1x128xi32>
        %broadcast_in_dim3A_304 = arith.constant 3.000000e+38 : f32
        %broadcast_in_dim3A_305 = vector.broadcast %broadcast_in_dim3A_304 : f32 to vector<6x128xf32>
        %broadcast_in_dim3A_306 = arith.constant 0 : i32
        %broadcast_in_dim3A_307 = vector.broadcast %broadcast_in_dim3A_306 : i32 to vector<6x128xi32>
        %concatenate3A_308 = tpu.concatenate %broadcast_in_dim3A_91, %broadcast_in_dim3A_111, %broadcast_in_dim3A_133, %broadcast_in_dim3A_155, %broadcast_in_dim3A_177, %broadcast_in_dim3A_199, %broadcast_in_dim3A_221, %broadcast_in_dim3A_243, %broadcast_in_dim3A_265, %broadcast_in_dim3A_287, %broadcast_in_dim3A_305 in 0 : vector<1x128xf32>, vector<1x128xf32>, vector<1x128xf32>, vector<1x128xf32>, vector<1x128xf32>, vector<1x128xf32>, vector<1x128xf32>, vector<1x128xf32>, vector<1x128xf32>, vector<1x128xf32>, vector<6x128xf32> -> vector<16x128xf32>
        %swap3A_309 = arith.constant 0 : index
        %swap3A_310 = arith.constant 0 : index
        %swap3A_311 = vector.load %arg8[%swap3A_309, %swap3A_310] : memref<16x128xf32, #tpu.memory_space<vmem>>, vector<16x128xf32>
        tpu.vector_store %arg8[%swap3A_309, %swap3A_310], %concatenate3A_308 {strides = array<i32>} : memref<16x128xf32, #tpu.memory_space<vmem>>, vector<16x128xf32>,
        %concatenate3A_312 = tpu.concatenate %broadcast_in_dim3A_105, %broadcast_in_dim3A_127, %broadcast_in_dim3A_149, %broadcast_in_dim3A_171, %broadcast_in_dim3A_193, %broadcast_in_dim3A_215, %broadcast_in_dim3A_237, %broadcast_in_dim3A_259, %broadcast_in_dim3A_281, %broadcast_in_dim3A_303, %broadcast_in_dim3A_307 in 0 : vector<1x128xi32>, vector<1x128xi32>, vector<1x128xi32>, vector<1x128xi32>, vector<1x128xi32>, vector<1x128xi32>, vector<1x128xi32>, vector<1x128xi32>, vector<1x128xi32>, vector<1x128xi32>, vector<6x128xi32> -> vector<16x128xi32>
        %swap3A_313 = arith.constant 0 : index
        %swap3A_314 = arith.constant 0 : index
        %swap3A_315 = vector.load %arg9[%swap3A_313, %swap3A_314] : memref<16x128xi32, #tpu.memory_space<vmem>>, vector<16x128xi32>
        tpu.vector_store %arg9[%swap3A_313, %swap3A_314], %concatenate3A_312 {strides = array<i32>} : memref<16x128xi32, #tpu.memory_space<vmem>>, vector<16x128xi32>,
      } else {
      }
    }
    %scan3A_36 = arith.constant 10 : i32
    return
  }
  func.func @transform_0(%arg0: i32) -> (i32, i32) {
    %c0_i32 = arith.constant 0 : i32
    %c0_i32_0 = arith.constant 0 : i32
    %c0_i32_1 = arith.constant 0 : i32
    return %c0_i32, %c0_i32_0 : i32, i32
  }
  func.func @transform_1(%arg0: i32) -> (i32, i32) {
    %c0_i32 = arith.constant 0 : i32
    %c0_i32_0 = arith.constant 0 : i32
    %c0_i32_1 = arith.constant 0 : i32
    return %c0_i32, %c0_i32_0 : i32, i32
  }
  func.func @transform_2(%arg0: i32) -> (i32, i32) {
    %c0_i32 = arith.constant 0 : i32
    %c0_i32_0 = arith.constant 0 : i32
    %c0_i32_1 = arith.constant 0 : i32
    return %c0_i32, %c0_i32_0 : i32, i32
  }
  func.func @transform_3(%arg0: i32) -> (i32, i32) {
    %c0_i32 = arith.constant 0 : i32
    %c0_i32_0 = arith.constant 0 : i32
    return %arg0, %c0_i32 : i32, i32
  }
  func.func @transform_4(%arg0: i32) -> (i32, i32) {
    %c0_i32 = arith.constant 0 : i32
    %c0_i32_0 = arith.constant 0 : i32
    %c0_i32_1 = arith.constant 0 : i32
    return %c0_i32, %c0_i32_0 : i32, i32
  }
  func.func @transform_5(%arg0: i32) -> (i32, i32) {
    %c0_i32 = arith.constant 0 : i32
    %c0_i32_0 = arith.constant 0 : i32
    %c0_i32_1 = arith.constant 0 : i32
    return %c0_i32, %c0_i32_0 : i32, i32
  }
  func.func @transform_6(%arg0: i32) -> (i32, i32) {
    %c0_i32 = arith.constant 0 : i32
    %c0_i32_0 = arith.constant 0 : i32
    %c0_i32_1 = arith.constant 0 : i32
    return %c0_i32, %c0_i32_0 : i32, i32
  }
  func.func @transform_7(%arg0: i32) -> (i32, i32) {
    %c0_i32 = arith.constant 0 : i32
    %c0_i32_0 = arith.constant 0 : i32
    %c0_i32_1 = arith.constant 0 : i32
    return %c0_i32, %c0_i32_0 : i32, i32
  }
  func.func @transform_8(%arg0: i32) -> (i32, i32) {
    %c0_i32 = arith.constant 0 : i32
    %c0_i32_0 = arith.constant 0 : i32
    %c0_i32_1 = arith.constant 0 : i32
    return %c0_i32, %c0_i32_0 : i32, i32
  }
}

module attributes {stable_mosaic.version = 14 : i64} {
  func.func @_final_kernel(%arg0: memref<128x64xf32, #tpu.memory_space<vmem>>, %arg1: memref<64x64xf32, #tpu.memory_space<vmem>>, %arg2: memref<1x64xf32, #tpu.memory_space<vmem>>, %arg3: memref<16x128xf32, #tpu.memory_space<vmem>>, %arg4: memref<16x128xi32, #tpu.memory_space<vmem>>, %arg5: memref<128x128xi32, #tpu.memory_space<vmem>>, %arg6: memref<128x128xf32, #tpu.memory_space<vmem>>, %arg7: memref<64x64xf32, #tpu.memory_space<vmem>>, %arg8: memref<1x64xf32, #tpu.memory_space<vmem>>, %arg9: memref<1x8xf32, #tpu.memory_space<vmem>>) attributes {dimension_semantics = [], scalar_prefetch = 0 : i64, scratch_operands = 0 : i64, tpu.core_type = #tpu.core_type<tc>} {
    %iota3A = tpu.iota {dimensions = array<i32: 0>} : vector<64x64xi32>
    %iota3A_0 = tpu.iota {dimensions = array<i32: 1>} : vector<64x64xi32>
    %eq3A = arith.cmpi eq, %iota3A, %iota3A_0 : vector<64x64xi32>
    %convert_element_type3A = arith.extui %eq3A : vector<64x64xi1> to vector<64x64xi32>
    %convert_element_type3A_1 = arith.sitofp %convert_element_type3A : vector<64x64xi32> to vector<64x64xf32>
    %get3A = arith.constant 0 : index
    %get3A_2 = arith.constant 0 : index
    %get3A_3 = vector.load %arg2[%get3A, %get3A_2] : memref<1x64xf32, #tpu.memory_space<vmem>>, vector<1x64xf32>
    %div3A = arith.constant 1.000000e+05 : f32
    %div3A_4 = vector.broadcast %div3A : f32 to vector<1x64xf32>
    %div3A_5 = arith.divf %get3A_3, %div3A_4 : vector<1x64xf32>
    %get3A_6 = arith.constant 0 : index
    %get3A_7 = arith.constant 0 : index
    %get3A_8 = vector.load %arg1[%get3A_6, %get3A_7] : memref<64x64xf32, #tpu.memory_space<vmem>>, vector<64x64xf32>
    %div3A_9 = arith.constant 1.000000e+05 : f32
    %div3A_10 = vector.broadcast %div3A_9 : f32 to vector<64x64xf32>
    %div3A_11 = arith.divf %get3A_8, %div3A_10 : vector<64x64xf32>
    %dot_general3A = arith.constant dense<0.000000e+00> : vector<64x64xf32>
    %dot_general3A_12 = tpu.matmul %div3A_5, %div3A_5, %dot_general3A {dimension_numbers = #tpu.dot_dimension_numbers<[0], [0], [1], [1], [0, 1, 1, 1], [], []>, transpose_lhs_hint = false} : vector<1x64xf32>, vector<1x64xf32>, vector<64x64xf32> -> vector<64x64xf32>
    %sub3A = arith.subf %div3A_11, %dot_general3A_12 : vector<64x64xf32>
    %mul3A = arith.constant 9.99999974E-5 : f32
    %mul3A_13 = vector.broadcast %mul3A : f32 to vector<64x64xf32>
    %mul3A_14 = arith.mulf %mul3A_13, %convert_element_type3A_1 : vector<64x64xf32>
    %add3A = arith.addf %sub3A, %mul3A_14 : vector<64x64xf32>
    %get3A_15 = arith.constant 0 : index
    %get3A_16 = arith.constant 0 : index
    %get3A_17 = vector.load %arg0[%get3A_15, %get3A_16] : memref<128x64xf32, #tpu.memory_space<vmem>>, vector<128x64xf32>
    %reduce_sum3A = arith.constant dense<0.000000e+00> : vector<64xf32>
    %reduce_sum3A_18 = vector.multi_reduction <add>, %get3A_17, %reduce_sum3A [0] : vector<128x64xf32> to vector<64xf32>
    %broadcast_in_dim3A = vector.shape_cast %reduce_sum3A_18 : vector<64xf32> to vector<1x64xf32>
    %div3A_19 = arith.constant 1.280000e+02 : f32
    %div3A_20 = vector.broadcast %div3A_19 : f32 to vector<1x64xf32>
    %div3A_21 = arith.divf %broadcast_in_dim3A, %div3A_20 : vector<1x64xf32>
    %sub3A_22 = vector.broadcast %div3A_21 : vector<1x64xf32> to vector<128x64xf32>
    %sub3A_23 = arith.subf %get3A_17, %sub3A_22 : vector<128x64xf32>
    %dot_general3A_24 = arith.constant dense<0.000000e+00> : vector<64x64xf32>
    %dot_general3A_25 = tpu.matmul %sub3A_23, %sub3A_23, %dot_general3A_24 {dimension_numbers = #tpu.dot_dimension_numbers<[0], [0], [1], [1], [0, 1, 1, 1], [], []>, transpose_lhs_hint = false} : vector<128x64xf32>, vector<128x64xf32>, vector<64x64xf32> -> vector<64x64xf32>
    %div3A_26 = arith.constant 1.280000e+02 : f32
    %div3A_27 = vector.broadcast %div3A_26 : f32 to vector<64x64xf32>
    %div3A_28 = arith.divf %dot_general3A_25, %div3A_27 : vector<64x64xf32>
    %mul3A_29 = arith.constant 9.99999974E-5 : f32
    %mul3A_30 = vector.broadcast %mul3A_29 : f32 to vector<64x64xf32>
    %mul3A_31 = arith.mulf %mul3A_30, %convert_element_type3A_1 : vector<64x64xf32>
    %add3A_32 = arith.addf %div3A_28, %mul3A_31 : vector<64x64xf32>
    %sub3A_33 = arith.subf %div3A_21, %div3A_5 : vector<1x64xf32>
    %integer_pow3A = arith.mulf %sub3A_33, %sub3A_33 : vector<1x64xf32>
    %reduce_sum3A_34 = vector.shape_cast %integer_pow3A : vector<1x64xf32> to vector<1x1x64xf32>
    %reduce_sum3A_35 = arith.constant dense<0.000000e+00> : vector<1xf32>
    %reduce_sum3A_36 = vector.multi_reduction <add>, %reduce_sum3A_34, %reduce_sum3A_35 [1, 2] : vector<1x1x64xf32> to vector<1xf32>
    %reduce_sum3A_37 = vector.shape_cast %reduce_sum3A_36 : vector<1xf32> to vector<1x1x1xf32>
    %reduce_sum3A_38 = vector.extract %reduce_sum3A_37[0, 0, 0] : f32 from vector<1x1x1xf32>
    %mul3A_39 = arith.mulf %add3A_32, %convert_element_type3A_1 : vector<64x64xf32>
    %reduce_sum3A_40 = vector.shape_cast %mul3A_39 : vector<64x64xf32> to vector<1x64x64xf32>
    %reduce_sum3A_41 = arith.constant dense<0.000000e+00> : vector<1xf32>
    %reduce_sum3A_42 = vector.multi_reduction <add>, %reduce_sum3A_40, %reduce_sum3A_41 [1, 2] : vector<1x64x64xf32> to vector<1xf32>
    %reduce_sum3A_43 = vector.shape_cast %reduce_sum3A_42 : vector<1xf32> to vector<1x1x1xf32>
    %reduce_sum3A_44 = vector.extract %reduce_sum3A_43[0, 0, 0] : f32 from vector<1x1x1xf32>
    %div3A_45 = vector.broadcast %reduce_sum3A_44 : f32 to vector<64x64xf32>
    %div3A_46 = arith.divf %add3A_32, %div3A_45 : vector<64x64xf32>
    %mul3A_47 = arith.constant 1.500000e+00 : f32
    %mul3A_48 = vector.broadcast %mul3A_47 : f32 to vector<64x64xf32>
    %mul3A_49 = arith.mulf %mul3A_48, %convert_element_type3A_1 : vector<64x64xf32>
    %dot_general3A_50 = arith.constant dense<0.000000e+00> : vector<64x64xf32>
    %dot_general3A_51 = tpu.matmul %convert_element_type3A_1, %div3A_46, %dot_general3A_50 {dimension_numbers = #tpu.dot_dimension_numbers<[1], [0], [0], [1], [0, 0, 1, 1], [], []>, transpose_lhs_hint = false} : vector<64x64xf32>, vector<64x64xf32>, vector<64x64xf32> -> vector<64x64xf32>
    %mul3A_52 = arith.constant 5.000000e-01 : f32
    %mul3A_53 = vector.broadcast %mul3A_52 : f32 to vector<64x64xf32>
    %mul3A_54 = arith.mulf %mul3A_53, %dot_general3A_51 : vector<64x64xf32>
    %sub3A_55 = arith.subf %mul3A_49, %mul3A_54 : vector<64x64xf32>
    %dot_general3A_56 = arith.constant dense<0.000000e+00> : vector<64x64xf32>
    %dot_general3A_57 = tpu.matmul %div3A_46, %sub3A_55, %dot_general3A_56 {dimension_numbers = #tpu.dot_dimension_numbers<[1], [0], [0], [1], [0, 0, 1, 1], [], []>, transpose_lhs_hint = false} : vector<64x64xf32>, vector<64x64xf32>, vector<64x64xf32> -> vector<64x64xf32>
    %dot_general3A_58 = arith.constant dense<0.000000e+00> : vector<64x64xf32>
    %dot_general3A_59 = tpu.matmul %sub3A_55, %convert_element_type3A_1, %dot_general3A_58 {dimension_numbers = #tpu.dot_dimension_numbers<[1], [0], [0], [1], [0, 0, 1, 1], [], []>, transpose_lhs_hint = false} : vector<64x64xf32>, vector<64x64xf32>, vector<64x64xf32> -> vector<64x64xf32>
    %mul3A_60 = arith.constant 1.500000e+00 : f32
    %mul3A_61 = vector.broadcast %mul3A_60 : f32 to vector<64x64xf32>
    %mul3A_62 = arith.mulf %mul3A_61, %convert_element_type3A_1 : vector<64x64xf32>
    %dot_general3A_63 = arith.constant dense<0.000000e+00> : vector<64x64xf32>
    %dot_general3A_64 = tpu.matmul %dot_general3A_59, %dot_general3A_57, %dot_general3A_63 {dimension_numbers = #tpu.dot_dimension_numbers<[1], [0], [0], [1], [0, 0, 1, 1], [], []>, transpose_lhs_hint = false} : vector<64x64xf32>, vector<64x64xf32>, vector<64x64xf32> -> vector<64x64xf32>
    %mul3A_65 = arith.constant 5.000000e-01 : f32
    %mul3A_66 = vector.broadcast %mul3A_65 : f32 to vector<64x64xf32>
    %mul3A_67 = arith.mulf %mul3A_66, %dot_general3A_64 : vector<64x64xf32>
    %sub3A_68 = arith.subf %mul3A_62, %mul3A_67 : vector<64x64xf32>
    %dot_general3A_69 = arith.constant dense<0.000000e+00> : vector<64x64xf32>
    %dot_general3A_70 = tpu.matmul %dot_general3A_57, %sub3A_68, %dot_general3A_69 {dimension_numbers = #tpu.dot_dimension_numbers<[1], [0], [0], [1], [0, 0, 1, 1], [], []>, transpose_lhs_hint = false} : vector<64x64xf32>, vector<64x64xf32>, vector<64x64xf32> -> vector<64x64xf32>
    %dot_general3A_71 = arith.constant dense<0.000000e+00> : vector<64x64xf32>
    %dot_general3A_72 = tpu.matmul %sub3A_68, %dot_general3A_59, %dot_general3A_71 {dimension_numbers = #tpu.dot_dimension_numbers<[1], [0], [0], [1], [0, 0, 1, 1], [], []>, transpose_lhs_hint = false} : vector<64x64xf32>, vector<64x64xf32>, vector<64x64xf32> -> vector<64x64xf32>
    %mul3A_73 = arith.constant 1.500000e+00 : f32
    %mul3A_74 = vector.broadcast %mul3A_73 : f32 to vector<64x64xf32>
    %mul3A_75 = arith.mulf %mul3A_74, %convert_element_type3A_1 : vector<64x64xf32>
    %dot_general3A_76 = arith.constant dense<0.000000e+00> : vector<64x64xf32>
    %dot_general3A_77 = tpu.matmul %dot_general3A_72, %dot_general3A_70, %dot_general3A_76 {dimension_numbers = #tpu.dot_dimension_numbers<[1], [0], [0], [1], [0, 0, 1, 1], [], []>, transpose_lhs_hint = false} : vector<64x64xf32>, vector<64x64xf32>, vector<64x64xf32> -> vector<64x64xf32>
    %mul3A_78 = arith.constant 5.000000e-01 : f32
    %mul3A_79 = vector.broadcast %mul3A_78 : f32 to vector<64x64xf32>
    %mul3A_80 = arith.mulf %mul3A_79, %dot_general3A_77 : vector<64x64xf32>
    %sub3A_81 = arith.subf %mul3A_75, %mul3A_80 : vector<64x64xf32>
    %dot_general3A_82 = arith.constant dense<0.000000e+00> : vector<64x64xf32>
    %dot_general3A_83 = tpu.matmul %dot_general3A_70, %sub3A_81, %dot_general3A_82 {dimension_numbers = #tpu.dot_dimension_numbers<[1], [0], [0], [1], [0, 0, 1, 1], [], []>, transpose_lhs_hint = false} : vector<64x64xf32>, vector<64x64xf32>, vector<64x64xf32> -> vector<64x64xf32>
    %dot_general3A_84 = arith.constant dense<0.000000e+00> : vector<64x64xf32>
    %dot_general3A_85 = tpu.matmul %sub3A_81, %dot_general3A_72, %dot_general3A_84 {dimension_numbers = #tpu.dot_dimension_numbers<[1], [0], [0], [1], [0, 0, 1, 1], [], []>, transpose_lhs_hint = false} : vector<64x64xf32>, vector<64x64xf32>, vector<64x64xf32> -> vector<64x64xf32>
    %mul3A_86 = arith.constant 1.500000e+00 : f32
    %mul3A_87 = vector.broadcast %mul3A_86 : f32 to vector<64x64xf32>
    %mul3A_88 = arith.mulf %mul3A_87, %convert_element_type3A_1 : vector<64x64xf32>
    %dot_general3A_89 = arith.constant dense<0.000000e+00> : vector<64x64xf32>
    %dot_general3A_90 = tpu.matmul %dot_general3A_85, %dot_general3A_83, %dot_general3A_89 {dimension_numbers = #tpu.dot_dimension_numbers<[1], [0], [0], [1], [0, 0, 1, 1], [], []>, transpose_lhs_hint = false} : vector<64x64xf32>, vector<64x64xf32>, vector<64x64xf32> -> vector<64x64xf32>
    %mul3A_91 = arith.constant 5.000000e-01 : f32
    %mul3A_92 = vector.broadcast %mul3A_91 : f32 to vector<64x64xf32>
    %mul3A_93 = arith.mulf %mul3A_92, %dot_general3A_90 : vector<64x64xf32>
    %sub3A_94 = arith.subf %mul3A_88, %mul3A_93 : vector<64x64xf32>
    %dot_general3A_95 = arith.constant dense<0.000000e+00> : vector<64x64xf32>
    %dot_general3A_96 = tpu.matmul %dot_general3A_83, %sub3A_94, %dot_general3A_95 {dimension_numbers = #tpu.dot_dimension_numbers<[1], [0], [0], [1], [0, 0, 1, 1], [], []>, transpose_lhs_hint = false} : vector<64x64xf32>, vector<64x64xf32>, vector<64x64xf32> -> vector<64x64xf32>
    %dot_general3A_97 = arith.constant dense<0.000000e+00> : vector<64x64xf32>
    %dot_general3A_98 = tpu.matmul %sub3A_94, %dot_general3A_85, %dot_general3A_97 {dimension_numbers = #tpu.dot_dimension_numbers<[1], [0], [0], [1], [0, 0, 1, 1], [], []>, transpose_lhs_hint = false} : vector<64x64xf32>, vector<64x64xf32>, vector<64x64xf32> -> vector<64x64xf32>
    %mul3A_99 = arith.constant 1.500000e+00 : f32
    %mul3A_100 = vector.broadcast %mul3A_99 : f32 to vector<64x64xf32>
    %mul3A_101 = arith.mulf %mul3A_100, %convert_element_type3A_1 : vector<64x64xf32>
    %dot_general3A_102 = arith.constant dense<0.000000e+00> : vector<64x64xf32>
    %dot_general3A_103 = tpu.matmul %dot_general3A_98, %dot_general3A_96, %dot_general3A_102 {dimension_numbers = #tpu.dot_dimension_numbers<[1], [0], [0], [1], [0, 0, 1, 1], [], []>, transpose_lhs_hint = false} : vector<64x64xf32>, vector<64x64xf32>, vector<64x64xf32> -> vector<64x64xf32>
    %mul3A_104 = arith.constant 5.000000e-01 : f32
    %mul3A_105 = vector.broadcast %mul3A_104 : f32 to vector<64x64xf32>
    %mul3A_106 = arith.mulf %mul3A_105, %dot_general3A_103 : vector<64x64xf32>
    %sub3A_107 = arith.subf %mul3A_101, %mul3A_106 : vector<64x64xf32>
    %dot_general3A_108 = arith.constant dense<0.000000e+00> : vector<64x64xf32>
    %dot_general3A_109 = tpu.matmul %dot_general3A_96, %sub3A_107, %dot_general3A_108 {dimension_numbers = #tpu.dot_dimension_numbers<[1], [0], [0], [1], [0, 0, 1, 1], [], []>, transpose_lhs_hint = false} : vector<64x64xf32>, vector<64x64xf32>, vector<64x64xf32> -> vector<64x64xf32>
    %dot_general3A_110 = arith.constant dense<0.000000e+00> : vector<64x64xf32>
    %dot_general3A_111 = tpu.matmul %sub3A_107, %dot_general3A_98, %dot_general3A_110 {dimension_numbers = #tpu.dot_dimension_numbers<[1], [0], [0], [1], [0, 0, 1, 1], [], []>, transpose_lhs_hint = false} : vector<64x64xf32>, vector<64x64xf32>, vector<64x64xf32> -> vector<64x64xf32>
    %mul3A_112 = arith.constant 1.500000e+00 : f32
    %mul3A_113 = vector.broadcast %mul3A_112 : f32 to vector<64x64xf32>
    %mul3A_114 = arith.mulf %mul3A_113, %convert_element_type3A_1 : vector<64x64xf32>
    %dot_general3A_115 = arith.constant dense<0.000000e+00> : vector<64x64xf32>
    %dot_general3A_116 = tpu.matmul %dot_general3A_111, %dot_general3A_109, %dot_general3A_115 {dimension_numbers = #tpu.dot_dimension_numbers<[1], [0], [0], [1], [0, 0, 1, 1], [], []>, transpose_lhs_hint = false} : vector<64x64xf32>, vector<64x64xf32>, vector<64x64xf32> -> vector<64x64xf32>
    %mul3A_117 = arith.constant 5.000000e-01 : f32
    %mul3A_118 = vector.broadcast %mul3A_117 : f32 to vector<64x64xf32>
    %mul3A_119 = arith.mulf %mul3A_118, %dot_general3A_116 : vector<64x64xf32>
    %sub3A_120 = arith.subf %mul3A_114, %mul3A_119 : vector<64x64xf32>
    %dot_general3A_121 = arith.constant dense<0.000000e+00> : vector<64x64xf32>
    %dot_general3A_122 = tpu.matmul %dot_general3A_109, %sub3A_120, %dot_general3A_121 {dimension_numbers = #tpu.dot_dimension_numbers<[1], [0], [0], [1], [0, 0, 1, 1], [], []>, transpose_lhs_hint = false} : vector<64x64xf32>, vector<64x64xf32>, vector<64x64xf32> -> vector<64x64xf32>
    %dot_general3A_123 = arith.constant dense<0.000000e+00> : vector<64x64xf32>
    %dot_general3A_124 = tpu.matmul %sub3A_120, %dot_general3A_111, %dot_general3A_123 {dimension_numbers = #tpu.dot_dimension_numbers<[1], [0], [0], [1], [0, 0, 1, 1], [], []>, transpose_lhs_hint = false} : vector<64x64xf32>, vector<64x64xf32>, vector<64x64xf32> -> vector<64x64xf32>
    %mul3A_125 = arith.constant 1.500000e+00 : f32
    %mul3A_126 = vector.broadcast %mul3A_125 : f32 to vector<64x64xf32>
    %mul3A_127 = arith.mulf %mul3A_126, %convert_element_type3A_1 : vector<64x64xf32>
    %dot_general3A_128 = arith.constant dense<0.000000e+00> : vector<64x64xf32>
    %dot_general3A_129 = tpu.matmul %dot_general3A_124, %dot_general3A_122, %dot_general3A_128 {dimension_numbers = #tpu.dot_dimension_numbers<[1], [0], [0], [1], [0, 0, 1, 1], [], []>, transpose_lhs_hint = false} : vector<64x64xf32>, vector<64x64xf32>, vector<64x64xf32> -> vector<64x64xf32>
    %mul3A_130 = arith.constant 5.000000e-01 : f32
    %mul3A_131 = vector.broadcast %mul3A_130 : f32 to vector<64x64xf32>
    %mul3A_132 = arith.mulf %mul3A_131, %dot_general3A_129 : vector<64x64xf32>
    %sub3A_133 = arith.subf %mul3A_127, %mul3A_132 : vector<64x64xf32>
    %dot_general3A_134 = arith.constant dense<0.000000e+00> : vector<64x64xf32>
    %dot_general3A_135 = tpu.matmul %dot_general3A_122, %sub3A_133, %dot_general3A_134 {dimension_numbers = #tpu.dot_dimension_numbers<[1], [0], [0], [1], [0, 0, 1, 1], [], []>, transpose_lhs_hint = false} : vector<64x64xf32>, vector<64x64xf32>, vector<64x64xf32> -> vector<64x64xf32>
    %dot_general3A_136 = arith.constant dense<0.000000e+00> : vector<64x64xf32>
    %dot_general3A_137 = tpu.matmul %sub3A_133, %dot_general3A_124, %dot_general3A_136 {dimension_numbers = #tpu.dot_dimension_numbers<[1], [0], [0], [1], [0, 0, 1, 1], [], []>, transpose_lhs_hint = false} : vector<64x64xf32>, vector<64x64xf32>, vector<64x64xf32> -> vector<64x64xf32>
    %mul3A_138 = arith.constant 1.500000e+00 : f32
    %mul3A_139 = vector.broadcast %mul3A_138 : f32 to vector<64x64xf32>
    %mul3A_140 = arith.mulf %mul3A_139, %convert_element_type3A_1 : vector<64x64xf32>
    %dot_general3A_141 = arith.constant dense<0.000000e+00> : vector<64x64xf32>
    %dot_general3A_142 = tpu.matmul %dot_general3A_137, %dot_general3A_135, %dot_general3A_141 {dimension_numbers = #tpu.dot_dimension_numbers<[1], [0], [0], [1], [0, 0, 1, 1], [], []>, transpose_lhs_hint = false} : vector<64x64xf32>, vector<64x64xf32>, vector<64x64xf32> -> vector<64x64xf32>
    %mul3A_143 = arith.constant 5.000000e-01 : f32
    %mul3A_144 = vector.broadcast %mul3A_143 : f32 to vector<64x64xf32>
    %mul3A_145 = arith.mulf %mul3A_144, %dot_general3A_142 : vector<64x64xf32>
    %sub3A_146 = arith.subf %mul3A_140, %mul3A_145 : vector<64x64xf32>
    %dot_general3A_147 = arith.constant dense<0.000000e+00> : vector<64x64xf32>
    %dot_general3A_148 = tpu.matmul %dot_general3A_135, %sub3A_146, %dot_general3A_147 {dimension_numbers = #tpu.dot_dimension_numbers<[1], [0], [0], [1], [0, 0, 1, 1], [], []>, transpose_lhs_hint = false} : vector<64x64xf32>, vector<64x64xf32>, vector<64x64xf32> -> vector<64x64xf32>
    %dot_general3A_149 = arith.constant dense<0.000000e+00> : vector<64x64xf32>
    %dot_general3A_150 = tpu.matmul %sub3A_146, %dot_general3A_137, %dot_general3A_149 {dimension_numbers = #tpu.dot_dimension_numbers<[1], [0], [0], [1], [0, 0, 1, 1], [], []>, transpose_lhs_hint = false} : vector<64x64xf32>, vector<64x64xf32>, vector<64x64xf32> -> vector<64x64xf32>
    %mul3A_151 = arith.constant 1.500000e+00 : f32
    %mul3A_152 = vector.broadcast %mul3A_151 : f32 to vector<64x64xf32>
    %mul3A_153 = arith.mulf %mul3A_152, %convert_element_type3A_1 : vector<64x64xf32>
    %dot_general3A_154 = arith.constant dense<0.000000e+00> : vector<64x64xf32>
    %dot_general3A_155 = tpu.matmul %dot_general3A_150, %dot_general3A_148, %dot_general3A_154 {dimension_numbers = #tpu.dot_dimension_numbers<[1], [0], [0], [1], [0, 0, 1, 1], [], []>, transpose_lhs_hint = false} : vector<64x64xf32>, vector<64x64xf32>, vector<64x64xf32> -> vector<64x64xf32>
    %mul3A_156 = arith.constant 5.000000e-01 : f32
    %mul3A_157 = vector.broadcast %mul3A_156 : f32 to vector<64x64xf32>
    %mul3A_158 = arith.mulf %mul3A_157, %dot_general3A_155 : vector<64x64xf32>
    %sub3A_159 = arith.subf %mul3A_153, %mul3A_158 : vector<64x64xf32>
    %dot_general3A_160 = arith.constant dense<0.000000e+00> : vector<64x64xf32>
    %dot_general3A_161 = tpu.matmul %dot_general3A_148, %sub3A_159, %dot_general3A_160 {dimension_numbers = #tpu.dot_dimension_numbers<[1], [0], [0], [1], [0, 0, 1, 1], [], []>, transpose_lhs_hint = false} : vector<64x64xf32>, vector<64x64xf32>, vector<64x64xf32> -> vector<64x64xf32>
    %dot_general3A_162 = arith.constant dense<0.000000e+00> : vector<64x64xf32>
    %dot_general3A_163 = tpu.matmul %sub3A_159, %dot_general3A_150, %dot_general3A_162 {dimension_numbers = #tpu.dot_dimension_numbers<[1], [0], [0], [1], [0, 0, 1, 1], [], []>, transpose_lhs_hint = false} : vector<64x64xf32>, vector<64x64xf32>, vector<64x64xf32> -> vector<64x64xf32>
    %mul3A_164 = arith.constant 1.500000e+00 : f32
    %mul3A_165 = vector.broadcast %mul3A_164 : f32 to vector<64x64xf32>
    %mul3A_166 = arith.mulf %mul3A_165, %convert_element_type3A_1 : vector<64x64xf32>
    %dot_general3A_167 = arith.constant dense<0.000000e+00> : vector<64x64xf32>
    %dot_general3A_168 = tpu.matmul %dot_general3A_163, %dot_general3A_161, %dot_general3A_167 {dimension_numbers = #tpu.dot_dimension_numbers<[1], [0], [0], [1], [0, 0, 1, 1], [], []>, transpose_lhs_hint = false} : vector<64x64xf32>, vector<64x64xf32>, vector<64x64xf32> -> vector<64x64xf32>
    %mul3A_169 = arith.constant 5.000000e-01 : f32
    %mul3A_170 = vector.broadcast %mul3A_169 : f32 to vector<64x64xf32>
    %mul3A_171 = arith.mulf %mul3A_170, %dot_general3A_168 : vector<64x64xf32>
    %sub3A_172 = arith.subf %mul3A_166, %mul3A_171 : vector<64x64xf32>
    %dot_general3A_173 = arith.constant dense<0.000000e+00> : vector<64x64xf32>
    %dot_general3A_174 = tpu.matmul %dot_general3A_161, %sub3A_172, %dot_general3A_173 {dimension_numbers = #tpu.dot_dimension_numbers<[1], [0], [0], [1], [0, 0, 1, 1], [], []>, transpose_lhs_hint = false} : vector<64x64xf32>, vector<64x64xf32>, vector<64x64xf32> -> vector<64x64xf32>
    %dot_general3A_175 = arith.constant dense<0.000000e+00> : vector<64x64xf32>
    %dot_general3A_176 = tpu.matmul %sub3A_172, %dot_general3A_163, %dot_general3A_175 {dimension_numbers = #tpu.dot_dimension_numbers<[1], [0], [0], [1], [0, 0, 1, 1], [], []>, transpose_lhs_hint = false} : vector<64x64xf32>, vector<64x64xf32>, vector<64x64xf32> -> vector<64x64xf32>
    %mul3A_177 = arith.constant 1.500000e+00 : f32
    %mul3A_178 = vector.broadcast %mul3A_177 : f32 to vector<64x64xf32>
    %mul3A_179 = arith.mulf %mul3A_178, %convert_element_type3A_1 : vector<64x64xf32>
    %dot_general3A_180 = arith.constant dense<0.000000e+00> : vector<64x64xf32>
    %dot_general3A_181 = tpu.matmul %dot_general3A_176, %dot_general3A_174, %dot_general3A_180 {dimension_numbers = #tpu.dot_dimension_numbers<[1], [0], [0], [1], [0, 0, 1, 1], [], []>, transpose_lhs_hint = false} : vector<64x64xf32>, vector<64x64xf32>, vector<64x64xf32> -> vector<64x64xf32>
    %mul3A_182 = arith.constant 5.000000e-01 : f32
    %mul3A_183 = vector.broadcast %mul3A_182 : f32 to vector<64x64xf32>
    %mul3A_184 = arith.mulf %mul3A_183, %dot_general3A_181 : vector<64x64xf32>
    %sub3A_185 = arith.subf %mul3A_179, %mul3A_184 : vector<64x64xf32>
    %dot_general3A_186 = arith.constant dense<0.000000e+00> : vector<64x64xf32>
    %dot_general3A_187 = tpu.matmul %dot_general3A_174, %sub3A_185, %dot_general3A_186 {dimension_numbers = #tpu.dot_dimension_numbers<[1], [0], [0], [1], [0, 0, 1, 1], [], []>, transpose_lhs_hint = false} : vector<64x64xf32>, vector<64x64xf32>, vector<64x64xf32> -> vector<64x64xf32>
    %dot_general3A_188 = arith.constant dense<0.000000e+00> : vector<64x64xf32>
    %dot_general3A_189 = tpu.matmul %sub3A_185, %dot_general3A_176, %dot_general3A_188 {dimension_numbers = #tpu.dot_dimension_numbers<[1], [0], [0], [1], [0, 0, 1, 1], [], []>, transpose_lhs_hint = false} : vector<64x64xf32>, vector<64x64xf32>, vector<64x64xf32> -> vector<64x64xf32>
    %mul3A_190 = arith.constant 1.500000e+00 : f32
    %mul3A_191 = vector.broadcast %mul3A_190 : f32 to vector<64x64xf32>
    %mul3A_192 = arith.mulf %mul3A_191, %convert_element_type3A_1 : vector<64x64xf32>
    %dot_general3A_193 = arith.constant dense<0.000000e+00> : vector<64x64xf32>
    %dot_general3A_194 = tpu.matmul %dot_general3A_189, %dot_general3A_187, %dot_general3A_193 {dimension_numbers = #tpu.dot_dimension_numbers<[1], [0], [0], [1], [0, 0, 1, 1], [], []>, transpose_lhs_hint = false} : vector<64x64xf32>, vector<64x64xf32>, vector<64x64xf32> -> vector<64x64xf32>
    %mul3A_195 = arith.constant 5.000000e-01 : f32
    %mul3A_196 = vector.broadcast %mul3A_195 : f32 to vector<64x64xf32>
    %mul3A_197 = arith.mulf %mul3A_196, %dot_general3A_194 : vector<64x64xf32>
    %sub3A_198 = arith.subf %mul3A_192, %mul3A_197 : vector<64x64xf32>
    %dot_general3A_199 = arith.constant dense<0.000000e+00> : vector<64x64xf32>
    %dot_general3A_200 = tpu.matmul %dot_general3A_187, %sub3A_198, %dot_general3A_199 {dimension_numbers = #tpu.dot_dimension_numbers<[1], [0], [0], [1], [0, 0, 1, 1], [], []>, transpose_lhs_hint = false} : vector<64x64xf32>, vector<64x64xf32>, vector<64x64xf32> -> vector<64x64xf32>
    %dot_general3A_201 = arith.constant dense<0.000000e+00> : vector<64x64xf32>
    %dot_general3A_202 = tpu.matmul %sub3A_198, %dot_general3A_189, %dot_general3A_201 {dimension_numbers = #tpu.dot_dimension_numbers<[1], [0], [0], [1], [0, 0, 1, 1], [], []>, transpose_lhs_hint = false} : vector<64x64xf32>, vector<64x64xf32>, vector<64x64xf32> -> vector<64x64xf32>
    %mul3A_203 = arith.constant 1.500000e+00 : f32
    %mul3A_204 = vector.broadcast %mul3A_203 : f32 to vector<64x64xf32>
    %mul3A_205 = arith.mulf %mul3A_204, %convert_element_type3A_1 : vector<64x64xf32>
    %dot_general3A_206 = arith.constant dense<0.000000e+00> : vector<64x64xf32>
    %dot_general3A_207 = tpu.matmul %dot_general3A_202, %dot_general3A_200, %dot_general3A_206 {dimension_numbers = #tpu.dot_dimension_numbers<[1], [0], [0], [1], [0, 0, 1, 1], [], []>, transpose_lhs_hint = false} : vector<64x64xf32>, vector<64x64xf32>, vector<64x64xf32> -> vector<64x64xf32>
    %mul3A_208 = arith.constant 5.000000e-01 : f32
    %mul3A_209 = vector.broadcast %mul3A_208 : f32 to vector<64x64xf32>
    %mul3A_210 = arith.mulf %mul3A_209, %dot_general3A_207 : vector<64x64xf32>
    %sub3A_211 = arith.subf %mul3A_205, %mul3A_210 : vector<64x64xf32>
    %dot_general3A_212 = arith.constant dense<0.000000e+00> : vector<64x64xf32>
    %dot_general3A_213 = tpu.matmul %dot_general3A_200, %sub3A_211, %dot_general3A_212 {dimension_numbers = #tpu.dot_dimension_numbers<[1], [0], [0], [1], [0, 0, 1, 1], [], []>, transpose_lhs_hint = false} : vector<64x64xf32>, vector<64x64xf32>, vector<64x64xf32> -> vector<64x64xf32>
    %dot_general3A_214 = arith.constant dense<0.000000e+00> : vector<64x64xf32>
    %dot_general3A_215 = tpu.matmul %sub3A_211, %dot_general3A_202, %dot_general3A_214 {dimension_numbers = #tpu.dot_dimension_numbers<[1], [0], [0], [1], [0, 0, 1, 1], [], []>, transpose_lhs_hint = false} : vector<64x64xf32>, vector<64x64xf32>, vector<64x64xf32> -> vector<64x64xf32>
    %mul3A_216 = arith.constant 1.500000e+00 : f32
    %mul3A_217 = vector.broadcast %mul3A_216 : f32 to vector<64x64xf32>
    %mul3A_218 = arith.mulf %mul3A_217, %convert_element_type3A_1 : vector<64x64xf32>
    %dot_general3A_219 = arith.constant dense<0.000000e+00> : vector<64x64xf32>
    %dot_general3A_220 = tpu.matmul %dot_general3A_215, %dot_general3A_213, %dot_general3A_219 {dimension_numbers = #tpu.dot_dimension_numbers<[1], [0], [0], [1], [0, 0, 1, 1], [], []>, transpose_lhs_hint = false} : vector<64x64xf32>, vector<64x64xf32>, vector<64x64xf32> -> vector<64x64xf32>
    %mul3A_221 = arith.constant 5.000000e-01 : f32
    %mul3A_222 = vector.broadcast %mul3A_221 : f32 to vector<64x64xf32>
    %mul3A_223 = arith.mulf %mul3A_222, %dot_general3A_220 : vector<64x64xf32>
    %sub3A_224 = arith.subf %mul3A_218, %mul3A_223 : vector<64x64xf32>
    %dot_general3A_225 = arith.constant dense<0.000000e+00> : vector<64x64xf32>
    %dot_general3A_226 = tpu.matmul %dot_general3A_213, %sub3A_224, %dot_general3A_225 {dimension_numbers = #tpu.dot_dimension_numbers<[1], [0], [0], [1], [0, 0, 1, 1], [], []>, transpose_lhs_hint = false} : vector<64x64xf32>, vector<64x64xf32>, vector<64x64xf32> -> vector<64x64xf32>
    %dot_general3A_227 = arith.constant dense<0.000000e+00> : vector<64x64xf32>
    %dot_general3A_228 = tpu.matmul %sub3A_224, %dot_general3A_215, %dot_general3A_227 {dimension_numbers = #tpu.dot_dimension_numbers<[1], [0], [0], [1], [0, 0, 1, 1], [], []>, transpose_lhs_hint = false} : vector<64x64xf32>, vector<64x64xf32>, vector<64x64xf32> -> vector<64x64xf32>
    %mul3A_229 = arith.constant 1.500000e+00 : f32
    %mul3A_230 = vector.broadcast %mul3A_229 : f32 to vector<64x64xf32>
    %mul3A_231 = arith.mulf %mul3A_230, %convert_element_type3A_1 : vector<64x64xf32>
    %dot_general3A_232 = arith.constant dense<0.000000e+00> : vector<64x64xf32>
    %dot_general3A_233 = tpu.matmul %dot_general3A_228, %dot_general3A_226, %dot_general3A_232 {dimension_numbers = #tpu.dot_dimension_numbers<[1], [0], [0], [1], [0, 0, 1, 1], [], []>, transpose_lhs_hint = false} : vector<64x64xf32>, vector<64x64xf32>, vector<64x64xf32> -> vector<64x64xf32>
    %mul3A_234 = arith.constant 5.000000e-01 : f32
    %mul3A_235 = vector.broadcast %mul3A_234 : f32 to vector<64x64xf32>
    %mul3A_236 = arith.mulf %mul3A_235, %dot_general3A_233 : vector<64x64xf32>
    %sub3A_237 = arith.subf %mul3A_231, %mul3A_236 : vector<64x64xf32>
    %dot_general3A_238 = arith.constant dense<0.000000e+00> : vector<64x64xf32>
    %dot_general3A_239 = tpu.matmul %dot_general3A_226, %sub3A_237, %dot_general3A_238 {dimension_numbers = #tpu.dot_dimension_numbers<[1], [0], [0], [1], [0, 0, 1, 1], [], []>, transpose_lhs_hint = false} : vector<64x64xf32>, vector<64x64xf32>, vector<64x64xf32> -> vector<64x64xf32>
    %dot_general3A_240 = arith.constant dense<0.000000e+00> : vector<64x64xf32>
    %dot_general3A_241 = tpu.matmul %sub3A_237, %dot_general3A_228, %dot_general3A_240 {dimension_numbers = #tpu.dot_dimension_numbers<[1], [0], [0], [1], [0, 0, 1, 1], [], []>, transpose_lhs_hint = false} : vector<64x64xf32>, vector<64x64xf32>, vector<64x64xf32> -> vector<64x64xf32>
    %mul3A_242 = arith.constant 1.500000e+00 : f32
    %mul3A_243 = vector.broadcast %mul3A_242 : f32 to vector<64x64xf32>
    %mul3A_244 = arith.mulf %mul3A_243, %convert_element_type3A_1 : vector<64x64xf32>
    %dot_general3A_245 = arith.constant dense<0.000000e+00> : vector<64x64xf32>
    %dot_general3A_246 = tpu.matmul %dot_general3A_241, %dot_general3A_239, %dot_general3A_245 {dimension_numbers = #tpu.dot_dimension_numbers<[1], [0], [0], [1], [0, 0, 1, 1], [], []>, transpose_lhs_hint = false} : vector<64x64xf32>, vector<64x64xf32>, vector<64x64xf32> -> vector<64x64xf32>
    %mul3A_247 = arith.constant 5.000000e-01 : f32
    %mul3A_248 = vector.broadcast %mul3A_247 : f32 to vector<64x64xf32>
    %mul3A_249 = arith.mulf %mul3A_248, %dot_general3A_246 : vector<64x64xf32>
    %sub3A_250 = arith.subf %mul3A_244, %mul3A_249 : vector<64x64xf32>
    %dot_general3A_251 = arith.constant dense<0.000000e+00> : vector<64x64xf32>
    %dot_general3A_252 = tpu.matmul %dot_general3A_239, %sub3A_250, %dot_general3A_251 {dimension_numbers = #tpu.dot_dimension_numbers<[1], [0], [0], [1], [0, 0, 1, 1], [], []>, transpose_lhs_hint = false} : vector<64x64xf32>, vector<64x64xf32>, vector<64x64xf32> -> vector<64x64xf32>
    %dot_general3A_253 = arith.constant dense<0.000000e+00> : vector<64x64xf32>
    %dot_general3A_254 = tpu.matmul %sub3A_250, %dot_general3A_241, %dot_general3A_253 {dimension_numbers = #tpu.dot_dimension_numbers<[1], [0], [0], [1], [0, 0, 1, 1], [], []>, transpose_lhs_hint = false} : vector<64x64xf32>, vector<64x64xf32>, vector<64x64xf32> -> vector<64x64xf32>
    %mul3A_255 = arith.constant 1.500000e+00 : f32
    %mul3A_256 = vector.broadcast %mul3A_255 : f32 to vector<64x64xf32>
    %mul3A_257 = arith.mulf %mul3A_256, %convert_element_type3A_1 : vector<64x64xf32>
    %dot_general3A_258 = arith.constant dense<0.000000e+00> : vector<64x64xf32>
    %dot_general3A_259 = tpu.matmul %dot_general3A_254, %dot_general3A_252, %dot_general3A_258 {dimension_numbers = #tpu.dot_dimension_numbers<[1], [0], [0], [1], [0, 0, 1, 1], [], []>, transpose_lhs_hint = false} : vector<64x64xf32>, vector<64x64xf32>, vector<64x64xf32> -> vector<64x64xf32>
    %mul3A_260 = arith.constant 5.000000e-01 : f32
    %mul3A_261 = vector.broadcast %mul3A_260 : f32 to vector<64x64xf32>
    %mul3A_262 = arith.mulf %mul3A_261, %dot_general3A_259 : vector<64x64xf32>
    %sub3A_263 = arith.subf %mul3A_257, %mul3A_262 : vector<64x64xf32>
    %dot_general3A_264 = arith.constant dense<0.000000e+00> : vector<64x64xf32>
    %dot_general3A_265 = tpu.matmul %dot_general3A_252, %sub3A_263, %dot_general3A_264 {dimension_numbers = #tpu.dot_dimension_numbers<[1], [0], [0], [1], [0, 0, 1, 1], [], []>, transpose_lhs_hint = false} : vector<64x64xf32>, vector<64x64xf32>, vector<64x64xf32> -> vector<64x64xf32>
    %dot_general3A_266 = arith.constant dense<0.000000e+00> : vector<64x64xf32>
    %dot_general3A_267 = tpu.matmul %sub3A_263, %dot_general3A_254, %dot_general3A_266 {dimension_numbers = #tpu.dot_dimension_numbers<[1], [0], [0], [1], [0, 0, 1, 1], [], []>, transpose_lhs_hint = false} : vector<64x64xf32>, vector<64x64xf32>, vector<64x64xf32> -> vector<64x64xf32>
    %mul3A_268 = arith.constant 1.500000e+00 : f32
    %mul3A_269 = vector.broadcast %mul3A_268 : f32 to vector<64x64xf32>
    %mul3A_270 = arith.mulf %mul3A_269, %convert_element_type3A_1 : vector<64x64xf32>
    %dot_general3A_271 = arith.constant dense<0.000000e+00> : vector<64x64xf32>
    %dot_general3A_272 = tpu.matmul %dot_general3A_267, %dot_general3A_265, %dot_general3A_271 {dimension_numbers = #tpu.dot_dimension_numbers<[1], [0], [0], [1], [0, 0, 1, 1], [], []>, transpose_lhs_hint = false} : vector<64x64xf32>, vector<64x64xf32>, vector<64x64xf32> -> vector<64x64xf32>
    %mul3A_273 = arith.constant 5.000000e-01 : f32
    %mul3A_274 = vector.broadcast %mul3A_273 : f32 to vector<64x64xf32>
    %mul3A_275 = arith.mulf %mul3A_274, %dot_general3A_272 : vector<64x64xf32>
    %sub3A_276 = arith.subf %mul3A_270, %mul3A_275 : vector<64x64xf32>
    %dot_general3A_277 = arith.constant dense<0.000000e+00> : vector<64x64xf32>
    %dot_general3A_278 = tpu.matmul %dot_general3A_265, %sub3A_276, %dot_general3A_277 {dimension_numbers = #tpu.dot_dimension_numbers<[1], [0], [0], [1], [0, 0, 1, 1], [], []>, transpose_lhs_hint = false} : vector<64x64xf32>, vector<64x64xf32>, vector<64x64xf32> -> vector<64x64xf32>
    %dot_general3A_279 = arith.constant dense<0.000000e+00> : vector<64x64xf32>
    %dot_general3A_280 = tpu.matmul %sub3A_276, %dot_general3A_267, %dot_general3A_279 {dimension_numbers = #tpu.dot_dimension_numbers<[1], [0], [0], [1], [0, 0, 1, 1], [], []>, transpose_lhs_hint = false} : vector<64x64xf32>, vector<64x64xf32>, vector<64x64xf32> -> vector<64x64xf32>
    %mul3A_281 = arith.constant 1.500000e+00 : f32
    %mul3A_282 = vector.broadcast %mul3A_281 : f32 to vector<64x64xf32>
    %mul3A_283 = arith.mulf %mul3A_282, %convert_element_type3A_1 : vector<64x64xf32>
    %dot_general3A_284 = arith.constant dense<0.000000e+00> : vector<64x64xf32>
    %dot_general3A_285 = tpu.matmul %dot_general3A_280, %dot_general3A_278, %dot_general3A_284 {dimension_numbers = #tpu.dot_dimension_numbers<[1], [0], [0], [1], [0, 0, 1, 1], [], []>, transpose_lhs_hint = false} : vector<64x64xf32>, vector<64x64xf32>, vector<64x64xf32> -> vector<64x64xf32>
    %mul3A_286 = arith.constant 5.000000e-01 : f32
    %mul3A_287 = vector.broadcast %mul3A_286 : f32 to vector<64x64xf32>
    %mul3A_288 = arith.mulf %mul3A_287, %dot_general3A_285 : vector<64x64xf32>
    %sub3A_289 = arith.subf %mul3A_283, %mul3A_288 : vector<64x64xf32>
    %dot_general3A_290 = arith.constant dense<0.000000e+00> : vector<64x64xf32>
    %dot_general3A_291 = tpu.matmul %dot_general3A_278, %sub3A_289, %dot_general3A_290 {dimension_numbers = #tpu.dot_dimension_numbers<[1], [0], [0], [1], [0, 0, 1, 1], [], []>, transpose_lhs_hint = false} : vector<64x64xf32>, vector<64x64xf32>, vector<64x64xf32> -> vector<64x64xf32>
    %dot_general3A_292 = arith.constant dense<0.000000e+00> : vector<64x64xf32>
    %dot_general3A_293 = tpu.matmul %sub3A_289, %dot_general3A_280, %dot_general3A_292 {dimension_numbers = #tpu.dot_dimension_numbers<[1], [0], [0], [1], [0, 0, 1, 1], [], []>, transpose_lhs_hint = false} : vector<64x64xf32>, vector<64x64xf32>, vector<64x64xf32> -> vector<64x64xf32>
    %mul3A_294 = arith.constant 1.500000e+00 : f32
    %mul3A_295 = vector.broadcast %mul3A_294 : f32 to vector<64x64xf32>
    %mul3A_296 = arith.mulf %mul3A_295, %convert_element_type3A_1 : vector<64x64xf32>
    %dot_general3A_297 = arith.constant dense<0.000000e+00> : vector<64x64xf32>
    %dot_general3A_298 = tpu.matmul %dot_general3A_293, %dot_general3A_291, %dot_general3A_297 {dimension_numbers = #tpu.dot_dimension_numbers<[1], [0], [0], [1], [0, 0, 1, 1], [], []>, transpose_lhs_hint = false} : vector<64x64xf32>, vector<64x64xf32>, vector<64x64xf32> -> vector<64x64xf32>
    %mul3A_299 = arith.constant 5.000000e-01 : f32
    %mul3A_300 = vector.broadcast %mul3A_299 : f32 to vector<64x64xf32>
    %mul3A_301 = arith.mulf %mul3A_300, %dot_general3A_298 : vector<64x64xf32>
    %sub3A_302 = arith.subf %mul3A_296, %mul3A_301 : vector<64x64xf32>
    %dot_general3A_303 = arith.constant dense<0.000000e+00> : vector<64x64xf32>
    %dot_general3A_304 = tpu.matmul %dot_general3A_291, %sub3A_302, %dot_general3A_303 {dimension_numbers = #tpu.dot_dimension_numbers<[1], [0], [0], [1], [0, 0, 1, 1], [], []>, transpose_lhs_hint = false} : vector<64x64xf32>, vector<64x64xf32>, vector<64x64xf32> -> vector<64x64xf32>
    %dot_general3A_305 = arith.constant dense<0.000000e+00> : vector<64x64xf32>
    %dot_general3A_306 = tpu.matmul %sub3A_302, %dot_general3A_293, %dot_general3A_305 {dimension_numbers = #tpu.dot_dimension_numbers<[1], [0], [0], [1], [0, 0, 1, 1], [], []>, transpose_lhs_hint = false} : vector<64x64xf32>, vector<64x64xf32>, vector<64x64xf32> -> vector<64x64xf32>
    %mul3A_307 = arith.constant 1.500000e+00 : f32
    %mul3A_308 = vector.broadcast %mul3A_307 : f32 to vector<64x64xf32>
    %mul3A_309 = arith.mulf %mul3A_308, %convert_element_type3A_1 : vector<64x64xf32>
    %dot_general3A_310 = arith.constant dense<0.000000e+00> : vector<64x64xf32>
    %dot_general3A_311 = tpu.matmul %dot_general3A_306, %dot_general3A_304, %dot_general3A_310 {dimension_numbers = #tpu.dot_dimension_numbers<[1], [0], [0], [1], [0, 0, 1, 1], [], []>, transpose_lhs_hint = false} : vector<64x64xf32>, vector<64x64xf32>, vector<64x64xf32> -> vector<64x64xf32>
    %mul3A_312 = arith.constant 5.000000e-01 : f32
    %mul3A_313 = vector.broadcast %mul3A_312 : f32 to vector<64x64xf32>
    %mul3A_314 = arith.mulf %mul3A_313, %dot_general3A_311 : vector<64x64xf32>
    %sub3A_315 = arith.subf %mul3A_309, %mul3A_314 : vector<64x64xf32>
    %dot_general3A_316 = arith.constant dense<0.000000e+00> : vector<64x64xf32>
    %dot_general3A_317 = tpu.matmul %dot_general3A_304, %sub3A_315, %dot_general3A_316 {dimension_numbers = #tpu.dot_dimension_numbers<[1], [0], [0], [1], [0, 0, 1, 1], [], []>, transpose_lhs_hint = false} : vector<64x64xf32>, vector<64x64xf32>, vector<64x64xf32> -> vector<64x64xf32>
    %dot_general3A_318 = arith.constant dense<0.000000e+00> : vector<64x64xf32>
    %dot_general3A_319 = tpu.matmul %sub3A_315, %dot_general3A_306, %dot_general3A_318 {dimension_numbers = #tpu.dot_dimension_numbers<[1], [0], [0], [1], [0, 0, 1, 1], [], []>, transpose_lhs_hint = false} : vector<64x64xf32>, vector<64x64xf32>, vector<64x64xf32> -> vector<64x64xf32>
    %mul3A_320 = arith.constant 1.500000e+00 : f32
    %mul3A_321 = vector.broadcast %mul3A_320 : f32 to vector<64x64xf32>
    %mul3A_322 = arith.mulf %mul3A_321, %convert_element_type3A_1 : vector<64x64xf32>
    %dot_general3A_323 = arith.constant dense<0.000000e+00> : vector<64x64xf32>
    %dot_general3A_324 = tpu.matmul %dot_general3A_319, %dot_general3A_317, %dot_general3A_323 {dimension_numbers = #tpu.dot_dimension_numbers<[1], [0], [0], [1], [0, 0, 1, 1], [], []>, transpose_lhs_hint = false} : vector<64x64xf32>, vector<64x64xf32>, vector<64x64xf32> -> vector<64x64xf32>
    %mul3A_325 = arith.constant 5.000000e-01 : f32
    %mul3A_326 = vector.broadcast %mul3A_325 : f32 to vector<64x64xf32>
    %mul3A_327 = arith.mulf %mul3A_326, %dot_general3A_324 : vector<64x64xf32>
    %sub3A_328 = arith.subf %mul3A_322, %mul3A_327 : vector<64x64xf32>
    %dot_general3A_329 = arith.constant dense<0.000000e+00> : vector<64x64xf32>
    %dot_general3A_330 = tpu.matmul %dot_general3A_317, %sub3A_328, %dot_general3A_329 {dimension_numbers = #tpu.dot_dimension_numbers<[1], [0], [0], [1], [0, 0, 1, 1], [], []>, transpose_lhs_hint = false} : vector<64x64xf32>, vector<64x64xf32>, vector<64x64xf32> -> vector<64x64xf32>
    %dot_general3A_331 = arith.constant dense<0.000000e+00> : vector<64x64xf32>
    %dot_general3A_332 = tpu.matmul %sub3A_328, %dot_general3A_319, %dot_general3A_331 {dimension_numbers = #tpu.dot_dimension_numbers<[1], [0], [0], [1], [0, 0, 1, 1], [], []>, transpose_lhs_hint = false} : vector<64x64xf32>, vector<64x64xf32>, vector<64x64xf32> -> vector<64x64xf32>
    %mul3A_333 = arith.constant 1.500000e+00 : f32
    %mul3A_334 = vector.broadcast %mul3A_333 : f32 to vector<64x64xf32>
    %mul3A_335 = arith.mulf %mul3A_334, %convert_element_type3A_1 : vector<64x64xf32>
    %dot_general3A_336 = arith.constant dense<0.000000e+00> : vector<64x64xf32>
    %dot_general3A_337 = tpu.matmul %dot_general3A_332, %dot_general3A_330, %dot_general3A_336 {dimension_numbers = #tpu.dot_dimension_numbers<[1], [0], [0], [1], [0, 0, 1, 1], [], []>, transpose_lhs_hint = false} : vector<64x64xf32>, vector<64x64xf32>, vector<64x64xf32> -> vector<64x64xf32>
    %mul3A_338 = arith.constant 5.000000e-01 : f32
    %mul3A_339 = vector.broadcast %mul3A_338 : f32 to vector<64x64xf32>
    %mul3A_340 = arith.mulf %mul3A_339, %dot_general3A_337 : vector<64x64xf32>
    %sub3A_341 = arith.subf %mul3A_335, %mul3A_340 : vector<64x64xf32>
    %dot_general3A_342 = arith.constant dense<0.000000e+00> : vector<64x64xf32>
    %dot_general3A_343 = tpu.matmul %dot_general3A_330, %sub3A_341, %dot_general3A_342 {dimension_numbers = #tpu.dot_dimension_numbers<[1], [0], [0], [1], [0, 0, 1, 1], [], []>, transpose_lhs_hint = false} : vector<64x64xf32>, vector<64x64xf32>, vector<64x64xf32> -> vector<64x64xf32>
    %dot_general3A_344 = arith.constant dense<0.000000e+00> : vector<64x64xf32>
    %dot_general3A_345 = tpu.matmul %sub3A_341, %dot_general3A_332, %dot_general3A_344 {dimension_numbers = #tpu.dot_dimension_numbers<[1], [0], [0], [1], [0, 0, 1, 1], [], []>, transpose_lhs_hint = false} : vector<64x64xf32>, vector<64x64xf32>, vector<64x64xf32> -> vector<64x64xf32>
    %mul3A_346 = arith.constant 1.500000e+00 : f32
    %mul3A_347 = vector.broadcast %mul3A_346 : f32 to vector<64x64xf32>
    %mul3A_348 = arith.mulf %mul3A_347, %convert_element_type3A_1 : vector<64x64xf32>
    %dot_general3A_349 = arith.constant dense<0.000000e+00> : vector<64x64xf32>
    %dot_general3A_350 = tpu.matmul %dot_general3A_345, %dot_general3A_343, %dot_general3A_349 {dimension_numbers = #tpu.dot_dimension_numbers<[1], [0], [0], [1], [0, 0, 1, 1], [], []>, transpose_lhs_hint = false} : vector<64x64xf32>, vector<64x64xf32>, vector<64x64xf32> -> vector<64x64xf32>
    %mul3A_351 = arith.constant 5.000000e-01 : f32
    %mul3A_352 = vector.broadcast %mul3A_351 : f32 to vector<64x64xf32>
    %mul3A_353 = arith.mulf %mul3A_352, %dot_general3A_350 : vector<64x64xf32>
    %sub3A_354 = arith.subf %mul3A_348, %mul3A_353 : vector<64x64xf32>
    %dot_general3A_355 = arith.constant dense<0.000000e+00> : vector<64x64xf32>
    %dot_general3A_356 = tpu.matmul %dot_general3A_343, %sub3A_354, %dot_general3A_355 {dimension_numbers = #tpu.dot_dimension_numbers<[1], [0], [0], [1], [0, 0, 1, 1], [], []>, transpose_lhs_hint = false} : vector<64x64xf32>, vector<64x64xf32>, vector<64x64xf32> -> vector<64x64xf32>
    %dot_general3A_357 = arith.constant dense<0.000000e+00> : vector<64x64xf32>
    %dot_general3A_358 = tpu.matmul %sub3A_354, %dot_general3A_345, %dot_general3A_357 {dimension_numbers = #tpu.dot_dimension_numbers<[1], [0], [0], [1], [0, 0, 1, 1], [], []>, transpose_lhs_hint = false} : vector<64x64xf32>, vector<64x64xf32>, vector<64x64xf32> -> vector<64x64xf32>
    %mul3A_359 = arith.constant 1.500000e+00 : f32
    %mul3A_360 = vector.broadcast %mul3A_359 : f32 to vector<64x64xf32>
    %mul3A_361 = arith.mulf %mul3A_360, %convert_element_type3A_1 : vector<64x64xf32>
    %dot_general3A_362 = arith.constant dense<0.000000e+00> : vector<64x64xf32>
    %dot_general3A_363 = tpu.matmul %dot_general3A_358, %dot_general3A_356, %dot_general3A_362 {dimension_numbers = #tpu.dot_dimension_numbers<[1], [0], [0], [1], [0, 0, 1, 1], [], []>, transpose_lhs_hint = false} : vector<64x64xf32>, vector<64x64xf32>, vector<64x64xf32> -> vector<64x64xf32>
    %mul3A_364 = arith.constant 5.000000e-01 : f32
    %mul3A_365 = vector.broadcast %mul3A_364 : f32 to vector<64x64xf32>
    %mul3A_366 = arith.mulf %mul3A_365, %dot_general3A_363 : vector<64x64xf32>
    %sub3A_367 = arith.subf %mul3A_361, %mul3A_366 : vector<64x64xf32>
    %dot_general3A_368 = arith.constant dense<0.000000e+00> : vector<64x64xf32>
    %dot_general3A_369 = tpu.matmul %dot_general3A_356, %sub3A_367, %dot_general3A_368 {dimension_numbers = #tpu.dot_dimension_numbers<[1], [0], [0], [1], [0, 0, 1, 1], [], []>, transpose_lhs_hint = false} : vector<64x64xf32>, vector<64x64xf32>, vector<64x64xf32> -> vector<64x64xf32>
    %dot_general3A_370 = arith.constant dense<0.000000e+00> : vector<64x64xf32>
    %dot_general3A_371 = tpu.matmul %sub3A_367, %dot_general3A_358, %dot_general3A_370 {dimension_numbers = #tpu.dot_dimension_numbers<[1], [0], [0], [1], [0, 0, 1, 1], [], []>, transpose_lhs_hint = false} : vector<64x64xf32>, vector<64x64xf32>, vector<64x64xf32> -> vector<64x64xf32>
    %mul3A_372 = arith.constant 1.500000e+00 : f32
    %mul3A_373 = vector.broadcast %mul3A_372 : f32 to vector<64x64xf32>
    %mul3A_374 = arith.mulf %mul3A_373, %convert_element_type3A_1 : vector<64x64xf32>
    %dot_general3A_375 = arith.constant dense<0.000000e+00> : vector<64x64xf32>
    %dot_general3A_376 = tpu.matmul %dot_general3A_371, %dot_general3A_369, %dot_general3A_375 {dimension_numbers = #tpu.dot_dimension_numbers<[1], [0], [0], [1], [0, 0, 1, 1], [], []>, transpose_lhs_hint = false} : vector<64x64xf32>, vector<64x64xf32>, vector<64x64xf32> -> vector<64x64xf32>
    %mul3A_377 = arith.constant 5.000000e-01 : f32
    %mul3A_378 = vector.broadcast %mul3A_377 : f32 to vector<64x64xf32>
    %mul3A_379 = arith.mulf %mul3A_378, %dot_general3A_376 : vector<64x64xf32>
    %sub3A_380 = arith.subf %mul3A_374, %mul3A_379 : vector<64x64xf32>
    %dot_general3A_381 = arith.constant dense<0.000000e+00> : vector<64x64xf32>
    %dot_general3A_382 = tpu.matmul %dot_general3A_369, %sub3A_380, %dot_general3A_381 {dimension_numbers = #tpu.dot_dimension_numbers<[1], [0], [0], [1], [0, 0, 1, 1], [], []>, transpose_lhs_hint = false} : vector<64x64xf32>, vector<64x64xf32>, vector<64x64xf32> -> vector<64x64xf32>
    %dot_general3A_383 = arith.constant dense<0.000000e+00> : vector<64x64xf32>
    %dot_general3A_384 = tpu.matmul %sub3A_380, %dot_general3A_371, %dot_general3A_383 {dimension_numbers = #tpu.dot_dimension_numbers<[1], [0], [0], [1], [0, 0, 1, 1], [], []>, transpose_lhs_hint = false} : vector<64x64xf32>, vector<64x64xf32>, vector<64x64xf32> -> vector<64x64xf32>
    %mul3A_385 = arith.constant 1.500000e+00 : f32
    %mul3A_386 = vector.broadcast %mul3A_385 : f32 to vector<64x64xf32>
    %mul3A_387 = arith.mulf %mul3A_386, %convert_element_type3A_1 : vector<64x64xf32>
    %dot_general3A_388 = arith.constant dense<0.000000e+00> : vector<64x64xf32>
    %dot_general3A_389 = tpu.matmul %dot_general3A_384, %dot_general3A_382, %dot_general3A_388 {dimension_numbers = #tpu.dot_dimension_numbers<[1], [0], [0], [1], [0, 0, 1, 1], [], []>, transpose_lhs_hint = false} : vector<64x64xf32>, vector<64x64xf32>, vector<64x64xf32> -> vector<64x64xf32>
    %mul3A_390 = arith.constant 5.000000e-01 : f32
    %mul3A_391 = vector.broadcast %mul3A_390 : f32 to vector<64x64xf32>
    %mul3A_392 = arith.mulf %mul3A_391, %dot_general3A_389 : vector<64x64xf32>
    %sub3A_393 = arith.subf %mul3A_387, %mul3A_392 : vector<64x64xf32>
    %dot_general3A_394 = arith.constant dense<0.000000e+00> : vector<64x64xf32>
    %dot_general3A_395 = tpu.matmul %dot_general3A_382, %sub3A_393, %dot_general3A_394 {dimension_numbers = #tpu.dot_dimension_numbers<[1], [0], [0], [1], [0, 0, 1, 1], [], []>, transpose_lhs_hint = false} : vector<64x64xf32>, vector<64x64xf32>, vector<64x64xf32> -> vector<64x64xf32>
    %dot_general3A_396 = arith.constant dense<0.000000e+00> : vector<64x64xf32>
    %dot_general3A_397 = tpu.matmul %sub3A_393, %dot_general3A_384, %dot_general3A_396 {dimension_numbers = #tpu.dot_dimension_numbers<[1], [0], [0], [1], [0, 0, 1, 1], [], []>, transpose_lhs_hint = false} : vector<64x64xf32>, vector<64x64xf32>, vector<64x64xf32> -> vector<64x64xf32>
    %mul3A_398 = arith.constant 1.500000e+00 : f32
    %mul3A_399 = vector.broadcast %mul3A_398 : f32 to vector<64x64xf32>
    %mul3A_400 = arith.mulf %mul3A_399, %convert_element_type3A_1 : vector<64x64xf32>
    %dot_general3A_401 = arith.constant dense<0.000000e+00> : vector<64x64xf32>
    %dot_general3A_402 = tpu.matmul %dot_general3A_397, %dot_general3A_395, %dot_general3A_401 {dimension_numbers = #tpu.dot_dimension_numbers<[1], [0], [0], [1], [0, 0, 1, 1], [], []>, transpose_lhs_hint = false} : vector<64x64xf32>, vector<64x64xf32>, vector<64x64xf32> -> vector<64x64xf32>
    %mul3A_403 = arith.constant 5.000000e-01 : f32
    %mul3A_404 = vector.broadcast %mul3A_403 : f32 to vector<64x64xf32>
    %mul3A_405 = arith.mulf %mul3A_404, %dot_general3A_402 : vector<64x64xf32>
    %sub3A_406 = arith.subf %mul3A_400, %mul3A_405 : vector<64x64xf32>
    %dot_general3A_407 = arith.constant dense<0.000000e+00> : vector<64x64xf32>
    %dot_general3A_408 = tpu.matmul %dot_general3A_395, %sub3A_406, %dot_general3A_407 {dimension_numbers = #tpu.dot_dimension_numbers<[1], [0], [0], [1], [0, 0, 1, 1], [], []>, transpose_lhs_hint = false} : vector<64x64xf32>, vector<64x64xf32>, vector<64x64xf32> -> vector<64x64xf32>
    %dot_general3A_409 = arith.constant dense<0.000000e+00> : vector<64x64xf32>
    %dot_general3A_410 = tpu.matmul %sub3A_406, %dot_general3A_397, %dot_general3A_409 {dimension_numbers = #tpu.dot_dimension_numbers<[1], [0], [0], [1], [0, 0, 1, 1], [], []>, transpose_lhs_hint = false} : vector<64x64xf32>, vector<64x64xf32>, vector<64x64xf32> -> vector<64x64xf32>
    %mul3A_411 = arith.constant 1.500000e+00 : f32
    %mul3A_412 = vector.broadcast %mul3A_411 : f32 to vector<64x64xf32>
    %mul3A_413 = arith.mulf %mul3A_412, %convert_element_type3A_1 : vector<64x64xf32>
    %dot_general3A_414 = arith.constant dense<0.000000e+00> : vector<64x64xf32>
    %dot_general3A_415 = tpu.matmul %dot_general3A_410, %dot_general3A_408, %dot_general3A_414 {dimension_numbers = #tpu.dot_dimension_numbers<[1], [0], [0], [1], [0, 0, 1, 1], [], []>, transpose_lhs_hint = false} : vector<64x64xf32>, vector<64x64xf32>, vector<64x64xf32> -> vector<64x64xf32>
    %mul3A_416 = arith.constant 5.000000e-01 : f32
    %mul3A_417 = vector.broadcast %mul3A_416 : f32 to vector<64x64xf32>
    %mul3A_418 = arith.mulf %mul3A_417, %dot_general3A_415 : vector<64x64xf32>
    %sub3A_419 = arith.subf %mul3A_413, %mul3A_418 : vector<64x64xf32>
    %dot_general3A_420 = arith.constant dense<0.000000e+00> : vector<64x64xf32>
    %dot_general3A_421 = tpu.matmul %dot_general3A_408, %sub3A_419, %dot_general3A_420 {dimension_numbers = #tpu.dot_dimension_numbers<[1], [0], [0], [1], [0, 0, 1, 1], [], []>, transpose_lhs_hint = false} : vector<64x64xf32>, vector<64x64xf32>, vector<64x64xf32> -> vector<64x64xf32>
    %dot_general3A_422 = arith.constant dense<0.000000e+00> : vector<64x64xf32>
    %dot_general3A_423 = tpu.matmul %sub3A_419, %dot_general3A_410, %dot_general3A_422 {dimension_numbers = #tpu.dot_dimension_numbers<[1], [0], [0], [1], [0, 0, 1, 1], [], []>, transpose_lhs_hint = false} : vector<64x64xf32>, vector<64x64xf32>, vector<64x64xf32> -> vector<64x64xf32>
    %mul3A_424 = arith.constant 1.500000e+00 : f32
    %mul3A_425 = vector.broadcast %mul3A_424 : f32 to vector<64x64xf32>
    %mul3A_426 = arith.mulf %mul3A_425, %convert_element_type3A_1 : vector<64x64xf32>
    %dot_general3A_427 = arith.constant dense<0.000000e+00> : vector<64x64xf32>
    %dot_general3A_428 = tpu.matmul %dot_general3A_423, %dot_general3A_421, %dot_general3A_427 {dimension_numbers = #tpu.dot_dimension_numbers<[1], [0], [0], [1], [0, 0, 1, 1], [], []>, transpose_lhs_hint = false} : vector<64x64xf32>, vector<64x64xf32>, vector<64x64xf32> -> vector<64x64xf32>
    %mul3A_429 = arith.constant 5.000000e-01 : f32
    %mul3A_430 = vector.broadcast %mul3A_429 : f32 to vector<64x64xf32>
    %mul3A_431 = arith.mulf %mul3A_430, %dot_general3A_428 : vector<64x64xf32>
    %sub3A_432 = arith.subf %mul3A_426, %mul3A_431 : vector<64x64xf32>
    %dot_general3A_433 = arith.constant dense<0.000000e+00> : vector<64x64xf32>
    %dot_general3A_434 = tpu.matmul %dot_general3A_421, %sub3A_432, %dot_general3A_433 {dimension_numbers = #tpu.dot_dimension_numbers<[1], [0], [0], [1], [0, 0, 1, 1], [], []>, transpose_lhs_hint = false} : vector<64x64xf32>, vector<64x64xf32>, vector<64x64xf32> -> vector<64x64xf32>
    %sqrt3A = math.sqrt %reduce_sum3A_44 : f32
    %mul3A_435 = vector.broadcast %sqrt3A : f32 to vector<64x64xf32>
    %mul3A_436 = arith.mulf %dot_general3A_434, %mul3A_435 : vector<64x64xf32>
    %dot_general3A_437 = arith.constant dense<0.000000e+00> : vector<64x64xf32>
    %dot_general3A_438 = tpu.matmul %mul3A_436, %add3A, %dot_general3A_437 {dimension_numbers = #tpu.dot_dimension_numbers<[1], [0], [0], [1], [0, 0, 1, 1], [], []>, transpose_lhs_hint = false} : vector<64x64xf32>, vector<64x64xf32>, vector<64x64xf32> -> vector<64x64xf32>
    %dot_general3A_439 = arith.constant dense<0.000000e+00> : vector<64x64xf32>
    %dot_general3A_440 = tpu.matmul %dot_general3A_438, %mul3A_436, %dot_general3A_439 {dimension_numbers = #tpu.dot_dimension_numbers<[1], [0], [0], [1], [0, 0, 1, 1], [], []>, transpose_lhs_hint = false} : vector<64x64xf32>, vector<64x64xf32>, vector<64x64xf32> -> vector<64x64xf32>
    %mul3A_441 = arith.mulf %dot_general3A_440, %convert_element_type3A_1 : vector<64x64xf32>
    %reduce_sum3A_442 = vector.shape_cast %mul3A_441 : vector<64x64xf32> to vector<1x64x64xf32>
    %reduce_sum3A_443 = arith.constant dense<0.000000e+00> : vector<1xf32>
    %reduce_sum3A_444 = vector.multi_reduction <add>, %reduce_sum3A_442, %reduce_sum3A_443 [1, 2] : vector<1x64x64xf32> to vector<1xf32>
    %reduce_sum3A_445 = vector.shape_cast %reduce_sum3A_444 : vector<1xf32> to vector<1x1x1xf32>
    %reduce_sum3A_446 = vector.extract %reduce_sum3A_445[0, 0, 0] : f32 from vector<1x1x1xf32>
    %div3A_447 = vector.broadcast %reduce_sum3A_446 : f32 to vector<64x64xf32>
    %div3A_448 = arith.divf %dot_general3A_440, %div3A_447 : vector<64x64xf32>
    %mul3A_449 = arith.constant 1.500000e+00 : f32
    %mul3A_450 = vector.broadcast %mul3A_449 : f32 to vector<64x64xf32>
    %mul3A_451 = arith.mulf %mul3A_450, %convert_element_type3A_1 : vector<64x64xf32>
    %dot_general3A_452 = arith.constant dense<0.000000e+00> : vector<64x64xf32>
    %dot_general3A_453 = tpu.matmul %convert_element_type3A_1, %div3A_448, %dot_general3A_452 {dimension_numbers = #tpu.dot_dimension_numbers<[1], [0], [0], [1], [0, 0, 1, 1], [], []>, transpose_lhs_hint = false} : vector<64x64xf32>, vector<64x64xf32>, vector<64x64xf32> -> vector<64x64xf32>
    %mul3A_454 = arith.constant 5.000000e-01 : f32
    %mul3A_455 = vector.broadcast %mul3A_454 : f32 to vector<64x64xf32>
    %mul3A_456 = arith.mulf %mul3A_455, %dot_general3A_453 : vector<64x64xf32>
    %sub3A_457 = arith.subf %mul3A_451, %mul3A_456 : vector<64x64xf32>
    %dot_general3A_458 = arith.constant dense<0.000000e+00> : vector<64x64xf32>
    %dot_general3A_459 = tpu.matmul %div3A_448, %sub3A_457, %dot_general3A_458 {dimension_numbers = #tpu.dot_dimension_numbers<[1], [0], [0], [1], [0, 0, 1, 1], [], []>, transpose_lhs_hint = false} : vector<64x64xf32>, vector<64x64xf32>, vector<64x64xf32> -> vector<64x64xf32>
    %dot_general3A_460 = arith.constant dense<0.000000e+00> : vector<64x64xf32>
    %dot_general3A_461 = tpu.matmul %sub3A_457, %convert_element_type3A_1, %dot_general3A_460 {dimension_numbers = #tpu.dot_dimension_numbers<[1], [0], [0], [1], [0, 0, 1, 1], [], []>, transpose_lhs_hint = false} : vector<64x64xf32>, vector<64x64xf32>, vector<64x64xf32> -> vector<64x64xf32>
    %mul3A_462 = arith.constant 1.500000e+00 : f32
    %mul3A_463 = vector.broadcast %mul3A_462 : f32 to vector<64x64xf32>
    %mul3A_464 = arith.mulf %mul3A_463, %convert_element_type3A_1 : vector<64x64xf32>
    %dot_general3A_465 = arith.constant dense<0.000000e+00> : vector<64x64xf32>
    %dot_general3A_466 = tpu.matmul %dot_general3A_461, %dot_general3A_459, %dot_general3A_465 {dimension_numbers = #tpu.dot_dimension_numbers<[1], [0], [0], [1], [0, 0, 1, 1], [], []>, transpose_lhs_hint = false} : vector<64x64xf32>, vector<64x64xf32>, vector<64x64xf32> -> vector<64x64xf32>
    %mul3A_467 = arith.constant 5.000000e-01 : f32
    %mul3A_468 = vector.broadcast %mul3A_467 : f32 to vector<64x64xf32>
    %mul3A_469 = arith.mulf %mul3A_468, %dot_general3A_466 : vector<64x64xf32>
    %sub3A_470 = arith.subf %mul3A_464, %mul3A_469 : vector<64x64xf32>
    %dot_general3A_471 = arith.constant dense<0.000000e+00> : vector<64x64xf32>
    %dot_general3A_472 = tpu.matmul %dot_general3A_459, %sub3A_470, %dot_general3A_471 {dimension_numbers = #tpu.dot_dimension_numbers<[1], [0], [0], [1], [0, 0, 1, 1], [], []>, transpose_lhs_hint = false} : vector<64x64xf32>, vector<64x64xf32>, vector<64x64xf32> -> vector<64x64xf32>
    %dot_general3A_473 = arith.constant dense<0.000000e+00> : vector<64x64xf32>
    %dot_general3A_474 = tpu.matmul %sub3A_470, %dot_general3A_461, %dot_general3A_473 {dimension_numbers = #tpu.dot_dimension_numbers<[1], [0], [0], [1], [0, 0, 1, 1], [], []>, transpose_lhs_hint = false} : vector<64x64xf32>, vector<64x64xf32>, vector<64x64xf32> -> vector<64x64xf32>
    %mul3A_475 = arith.constant 1.500000e+00 : f32
    %mul3A_476 = vector.broadcast %mul3A_475 : f32 to vector<64x64xf32>
    %mul3A_477 = arith.mulf %mul3A_476, %convert_element_type3A_1 : vector<64x64xf32>
    %dot_general3A_478 = arith.constant dense<0.000000e+00> : vector<64x64xf32>
    %dot_general3A_479 = tpu.matmul %dot_general3A_474, %dot_general3A_472, %dot_general3A_478 {dimension_numbers = #tpu.dot_dimension_numbers<[1], [0], [0], [1], [0, 0, 1, 1], [], []>, transpose_lhs_hint = false} : vector<64x64xf32>, vector<64x64xf32>, vector<64x64xf32> -> vector<64x64xf32>
    %mul3A_480 = arith.constant 5.000000e-01 : f32
    %mul3A_481 = vector.broadcast %mul3A_480 : f32 to vector<64x64xf32>
    %mul3A_482 = arith.mulf %mul3A_481, %dot_general3A_479 : vector<64x64xf32>
    %sub3A_483 = arith.subf %mul3A_477, %mul3A_482 : vector<64x64xf32>
    %dot_general3A_484 = arith.constant dense<0.000000e+00> : vector<64x64xf32>
    %dot_general3A_485 = tpu.matmul %dot_general3A_472, %sub3A_483, %dot_general3A_484 {dimension_numbers = #tpu.dot_dimension_numbers<[1], [0], [0], [1], [0, 0, 1, 1], [], []>, transpose_lhs_hint = false} : vector<64x64xf32>, vector<64x64xf32>, vector<64x64xf32> -> vector<64x64xf32>
    %dot_general3A_486 = arith.constant dense<0.000000e+00> : vector<64x64xf32>
    %dot_general3A_487 = tpu.matmul %sub3A_483, %dot_general3A_474, %dot_general3A_486 {dimension_numbers = #tpu.dot_dimension_numbers<[1], [0], [0], [1], [0, 0, 1, 1], [], []>, transpose_lhs_hint = false} : vector<64x64xf32>, vector<64x64xf32>, vector<64x64xf32> -> vector<64x64xf32>
    %mul3A_488 = arith.constant 1.500000e+00 : f32
    %mul3A_489 = vector.broadcast %mul3A_488 : f32 to vector<64x64xf32>
    %mul3A_490 = arith.mulf %mul3A_489, %convert_element_type3A_1 : vector<64x64xf32>
    %dot_general3A_491 = arith.constant dense<0.000000e+00> : vector<64x64xf32>
    %dot_general3A_492 = tpu.matmul %dot_general3A_487, %dot_general3A_485, %dot_general3A_491 {dimension_numbers = #tpu.dot_dimension_numbers<[1], [0], [0], [1], [0, 0, 1, 1], [], []>, transpose_lhs_hint = false} : vector<64x64xf32>, vector<64x64xf32>, vector<64x64xf32> -> vector<64x64xf32>
    %mul3A_493 = arith.constant 5.000000e-01 : f32
    %mul3A_494 = vector.broadcast %mul3A_493 : f32 to vector<64x64xf32>
    %mul3A_495 = arith.mulf %mul3A_494, %dot_general3A_492 : vector<64x64xf32>
    %sub3A_496 = arith.subf %mul3A_490, %mul3A_495 : vector<64x64xf32>
    %dot_general3A_497 = arith.constant dense<0.000000e+00> : vector<64x64xf32>
    %dot_general3A_498 = tpu.matmul %dot_general3A_485, %sub3A_496, %dot_general3A_497 {dimension_numbers = #tpu.dot_dimension_numbers<[1], [0], [0], [1], [0, 0, 1, 1], [], []>, transpose_lhs_hint = false} : vector<64x64xf32>, vector<64x64xf32>, vector<64x64xf32> -> vector<64x64xf32>
    %dot_general3A_499 = arith.constant dense<0.000000e+00> : vector<64x64xf32>
    %dot_general3A_500 = tpu.matmul %sub3A_496, %dot_general3A_487, %dot_general3A_499 {dimension_numbers = #tpu.dot_dimension_numbers<[1], [0], [0], [1], [0, 0, 1, 1], [], []>, transpose_lhs_hint = false} : vector<64x64xf32>, vector<64x64xf32>, vector<64x64xf32> -> vector<64x64xf32>
    %mul3A_501 = arith.constant 1.500000e+00 : f32
    %mul3A_502 = vector.broadcast %mul3A_501 : f32 to vector<64x64xf32>
    %mul3A_503 = arith.mulf %mul3A_502, %convert_element_type3A_1 : vector<64x64xf32>
    %dot_general3A_504 = arith.constant dense<0.000000e+00> : vector<64x64xf32>
    %dot_general3A_505 = tpu.matmul %dot_general3A_500, %dot_general3A_498, %dot_general3A_504 {dimension_numbers = #tpu.dot_dimension_numbers<[1], [0], [0], [1], [0, 0, 1, 1], [], []>, transpose_lhs_hint = false} : vector<64x64xf32>, vector<64x64xf32>, vector<64x64xf32> -> vector<64x64xf32>
    %mul3A_506 = arith.constant 5.000000e-01 : f32
    %mul3A_507 = vector.broadcast %mul3A_506 : f32 to vector<64x64xf32>
    %mul3A_508 = arith.mulf %mul3A_507, %dot_general3A_505 : vector<64x64xf32>
    %sub3A_509 = arith.subf %mul3A_503, %mul3A_508 : vector<64x64xf32>
    %dot_general3A_510 = arith.constant dense<0.000000e+00> : vector<64x64xf32>
    %dot_general3A_511 = tpu.matmul %dot_general3A_498, %sub3A_509, %dot_general3A_510 {dimension_numbers = #tpu.dot_dimension_numbers<[1], [0], [0], [1], [0, 0, 1, 1], [], []>, transpose_lhs_hint = false} : vector<64x64xf32>, vector<64x64xf32>, vector<64x64xf32> -> vector<64x64xf32>
    %dot_general3A_512 = arith.constant dense<0.000000e+00> : vector<64x64xf32>
    %dot_general3A_513 = tpu.matmul %sub3A_509, %dot_general3A_500, %dot_general3A_512 {dimension_numbers = #tpu.dot_dimension_numbers<[1], [0], [0], [1], [0, 0, 1, 1], [], []>, transpose_lhs_hint = false} : vector<64x64xf32>, vector<64x64xf32>, vector<64x64xf32> -> vector<64x64xf32>
    %mul3A_514 = arith.constant 1.500000e+00 : f32
    %mul3A_515 = vector.broadcast %mul3A_514 : f32 to vector<64x64xf32>
    %mul3A_516 = arith.mulf %mul3A_515, %convert_element_type3A_1 : vector<64x64xf32>
    %dot_general3A_517 = arith.constant dense<0.000000e+00> : vector<64x64xf32>
    %dot_general3A_518 = tpu.matmul %dot_general3A_513, %dot_general3A_511, %dot_general3A_517 {dimension_numbers = #tpu.dot_dimension_numbers<[1], [0], [0], [1], [0, 0, 1, 1], [], []>, transpose_lhs_hint = false} : vector<64x64xf32>, vector<64x64xf32>, vector<64x64xf32> -> vector<64x64xf32>
    %mul3A_519 = arith.constant 5.000000e-01 : f32
    %mul3A_520 = vector.broadcast %mul3A_519 : f32 to vector<64x64xf32>
    %mul3A_521 = arith.mulf %mul3A_520, %dot_general3A_518 : vector<64x64xf32>
    %sub3A_522 = arith.subf %mul3A_516, %mul3A_521 : vector<64x64xf32>
    %dot_general3A_523 = arith.constant dense<0.000000e+00> : vector<64x64xf32>
    %dot_general3A_524 = tpu.matmul %dot_general3A_511, %sub3A_522, %dot_general3A_523 {dimension_numbers = #tpu.dot_dimension_numbers<[1], [0], [0], [1], [0, 0, 1, 1], [], []>, transpose_lhs_hint = false} : vector<64x64xf32>, vector<64x64xf32>, vector<64x64xf32> -> vector<64x64xf32>
    %dot_general3A_525 = arith.constant dense<0.000000e+00> : vector<64x64xf32>
    %dot_general3A_526 = tpu.matmul %sub3A_522, %dot_general3A_513, %dot_general3A_525 {dimension_numbers = #tpu.dot_dimension_numbers<[1], [0], [0], [1], [0, 0, 1, 1], [], []>, transpose_lhs_hint = false} : vector<64x64xf32>, vector<64x64xf32>, vector<64x64xf32> -> vector<64x64xf32>
    %mul3A_527 = arith.constant 1.500000e+00 : f32
    %mul3A_528 = vector.broadcast %mul3A_527 : f32 to vector<64x64xf32>
    %mul3A_529 = arith.mulf %mul3A_528, %convert_element_type3A_1 : vector<64x64xf32>
    %dot_general3A_530 = arith.constant dense<0.000000e+00> : vector<64x64xf32>
    %dot_general3A_531 = tpu.matmul %dot_general3A_526, %dot_general3A_524, %dot_general3A_530 {dimension_numbers = #tpu.dot_dimension_numbers<[1], [0], [0], [1], [0, 0, 1, 1], [], []>, transpose_lhs_hint = false} : vector<64x64xf32>, vector<64x64xf32>, vector<64x64xf32> -> vector<64x64xf32>
    %mul3A_532 = arith.constant 5.000000e-01 : f32
    %mul3A_533 = vector.broadcast %mul3A_532 : f32 to vector<64x64xf32>
    %mul3A_534 = arith.mulf %mul3A_533, %dot_general3A_531 : vector<64x64xf32>
    %sub3A_535 = arith.subf %mul3A_529, %mul3A_534 : vector<64x64xf32>
    %dot_general3A_536 = arith.constant dense<0.000000e+00> : vector<64x64xf32>
    %dot_general3A_537 = tpu.matmul %dot_general3A_524, %sub3A_535, %dot_general3A_536 {dimension_numbers = #tpu.dot_dimension_numbers<[1], [0], [0], [1], [0, 0, 1, 1], [], []>, transpose_lhs_hint = false} : vector<64x64xf32>, vector<64x64xf32>, vector<64x64xf32> -> vector<64x64xf32>
    %dot_general3A_538 = arith.constant dense<0.000000e+00> : vector<64x64xf32>
    %dot_general3A_539 = tpu.matmul %sub3A_535, %dot_general3A_526, %dot_general3A_538 {dimension_numbers = #tpu.dot_dimension_numbers<[1], [0], [0], [1], [0, 0, 1, 1], [], []>, transpose_lhs_hint = false} : vector<64x64xf32>, vector<64x64xf32>, vector<64x64xf32> -> vector<64x64xf32>
    %mul3A_540 = arith.constant 1.500000e+00 : f32
    %mul3A_541 = vector.broadcast %mul3A_540 : f32 to vector<64x64xf32>
    %mul3A_542 = arith.mulf %mul3A_541, %convert_element_type3A_1 : vector<64x64xf32>
    %dot_general3A_543 = arith.constant dense<0.000000e+00> : vector<64x64xf32>
    %dot_general3A_544 = tpu.matmul %dot_general3A_539, %dot_general3A_537, %dot_general3A_543 {dimension_numbers = #tpu.dot_dimension_numbers<[1], [0], [0], [1], [0, 0, 1, 1], [], []>, transpose_lhs_hint = false} : vector<64x64xf32>, vector<64x64xf32>, vector<64x64xf32> -> vector<64x64xf32>
    %mul3A_545 = arith.constant 5.000000e-01 : f32
    %mul3A_546 = vector.broadcast %mul3A_545 : f32 to vector<64x64xf32>
    %mul3A_547 = arith.mulf %mul3A_546, %dot_general3A_544 : vector<64x64xf32>
    %sub3A_548 = arith.subf %mul3A_542, %mul3A_547 : vector<64x64xf32>
    %dot_general3A_549 = arith.constant dense<0.000000e+00> : vector<64x64xf32>
    %dot_general3A_550 = tpu.matmul %dot_general3A_537, %sub3A_548, %dot_general3A_549 {dimension_numbers = #tpu.dot_dimension_numbers<[1], [0], [0], [1], [0, 0, 1, 1], [], []>, transpose_lhs_hint = false} : vector<64x64xf32>, vector<64x64xf32>, vector<64x64xf32> -> vector<64x64xf32>
    %dot_general3A_551 = arith.constant dense<0.000000e+00> : vector<64x64xf32>
    %dot_general3A_552 = tpu.matmul %sub3A_548, %dot_general3A_539, %dot_general3A_551 {dimension_numbers = #tpu.dot_dimension_numbers<[1], [0], [0], [1], [0, 0, 1, 1], [], []>, transpose_lhs_hint = false} : vector<64x64xf32>, vector<64x64xf32>, vector<64x64xf32> -> vector<64x64xf32>
    %mul3A_553 = arith.constant 1.500000e+00 : f32
    %mul3A_554 = vector.broadcast %mul3A_553 : f32 to vector<64x64xf32>
    %mul3A_555 = arith.mulf %mul3A_554, %convert_element_type3A_1 : vector<64x64xf32>
    %dot_general3A_556 = arith.constant dense<0.000000e+00> : vector<64x64xf32>
    %dot_general3A_557 = tpu.matmul %dot_general3A_552, %dot_general3A_550, %dot_general3A_556 {dimension_numbers = #tpu.dot_dimension_numbers<[1], [0], [0], [1], [0, 0, 1, 1], [], []>, transpose_lhs_hint = false} : vector<64x64xf32>, vector<64x64xf32>, vector<64x64xf32> -> vector<64x64xf32>
    %mul3A_558 = arith.constant 5.000000e-01 : f32
    %mul3A_559 = vector.broadcast %mul3A_558 : f32 to vector<64x64xf32>
    %mul3A_560 = arith.mulf %mul3A_559, %dot_general3A_557 : vector<64x64xf32>
    %sub3A_561 = arith.subf %mul3A_555, %mul3A_560 : vector<64x64xf32>
    %dot_general3A_562 = arith.constant dense<0.000000e+00> : vector<64x64xf32>
    %dot_general3A_563 = tpu.matmul %dot_general3A_550, %sub3A_561, %dot_general3A_562 {dimension_numbers = #tpu.dot_dimension_numbers<[1], [0], [0], [1], [0, 0, 1, 1], [], []>, transpose_lhs_hint = false} : vector<64x64xf32>, vector<64x64xf32>, vector<64x64xf32> -> vector<64x64xf32>
    %dot_general3A_564 = arith.constant dense<0.000000e+00> : vector<64x64xf32>
    %dot_general3A_565 = tpu.matmul %sub3A_561, %dot_general3A_552, %dot_general3A_564 {dimension_numbers = #tpu.dot_dimension_numbers<[1], [0], [0], [1], [0, 0, 1, 1], [], []>, transpose_lhs_hint = false} : vector<64x64xf32>, vector<64x64xf32>, vector<64x64xf32> -> vector<64x64xf32>
    %mul3A_566 = arith.constant 1.500000e+00 : f32
    %mul3A_567 = vector.broadcast %mul3A_566 : f32 to vector<64x64xf32>
    %mul3A_568 = arith.mulf %mul3A_567, %convert_element_type3A_1 : vector<64x64xf32>
    %dot_general3A_569 = arith.constant dense<0.000000e+00> : vector<64x64xf32>
    %dot_general3A_570 = tpu.matmul %dot_general3A_565, %dot_general3A_563, %dot_general3A_569 {dimension_numbers = #tpu.dot_dimension_numbers<[1], [0], [0], [1], [0, 0, 1, 1], [], []>, transpose_lhs_hint = false} : vector<64x64xf32>, vector<64x64xf32>, vector<64x64xf32> -> vector<64x64xf32>
    %mul3A_571 = arith.constant 5.000000e-01 : f32
    %mul3A_572 = vector.broadcast %mul3A_571 : f32 to vector<64x64xf32>
    %mul3A_573 = arith.mulf %mul3A_572, %dot_general3A_570 : vector<64x64xf32>
    %sub3A_574 = arith.subf %mul3A_568, %mul3A_573 : vector<64x64xf32>
    %dot_general3A_575 = arith.constant dense<0.000000e+00> : vector<64x64xf32>
    %dot_general3A_576 = tpu.matmul %dot_general3A_563, %sub3A_574, %dot_general3A_575 {dimension_numbers = #tpu.dot_dimension_numbers<[1], [0], [0], [1], [0, 0, 1, 1], [], []>, transpose_lhs_hint = false} : vector<64x64xf32>, vector<64x64xf32>, vector<64x64xf32> -> vector<64x64xf32>
    %dot_general3A_577 = arith.constant dense<0.000000e+00> : vector<64x64xf32>
    %dot_general3A_578 = tpu.matmul %sub3A_574, %dot_general3A_565, %dot_general3A_577 {dimension_numbers = #tpu.dot_dimension_numbers<[1], [0], [0], [1], [0, 0, 1, 1], [], []>, transpose_lhs_hint = false} : vector<64x64xf32>, vector<64x64xf32>, vector<64x64xf32> -> vector<64x64xf32>
    %mul3A_579 = arith.constant 1.500000e+00 : f32
    %mul3A_580 = vector.broadcast %mul3A_579 : f32 to vector<64x64xf32>
    %mul3A_581 = arith.mulf %mul3A_580, %convert_element_type3A_1 : vector<64x64xf32>
    %dot_general3A_582 = arith.constant dense<0.000000e+00> : vector<64x64xf32>
    %dot_general3A_583 = tpu.matmul %dot_general3A_578, %dot_general3A_576, %dot_general3A_582 {dimension_numbers = #tpu.dot_dimension_numbers<[1], [0], [0], [1], [0, 0, 1, 1], [], []>, transpose_lhs_hint = false} : vector<64x64xf32>, vector<64x64xf32>, vector<64x64xf32> -> vector<64x64xf32>
    %mul3A_584 = arith.constant 5.000000e-01 : f32
    %mul3A_585 = vector.broadcast %mul3A_584 : f32 to vector<64x64xf32>
    %mul3A_586 = arith.mulf %mul3A_585, %dot_general3A_583 : vector<64x64xf32>
    %sub3A_587 = arith.subf %mul3A_581, %mul3A_586 : vector<64x64xf32>
    %dot_general3A_588 = arith.constant dense<0.000000e+00> : vector<64x64xf32>
    %dot_general3A_589 = tpu.matmul %dot_general3A_576, %sub3A_587, %dot_general3A_588 {dimension_numbers = #tpu.dot_dimension_numbers<[1], [0], [0], [1], [0, 0, 1, 1], [], []>, transpose_lhs_hint = false} : vector<64x64xf32>, vector<64x64xf32>, vector<64x64xf32> -> vector<64x64xf32>
    %dot_general3A_590 = arith.constant dense<0.000000e+00> : vector<64x64xf32>
    %dot_general3A_591 = tpu.matmul %sub3A_587, %dot_general3A_578, %dot_general3A_590 {dimension_numbers = #tpu.dot_dimension_numbers<[1], [0], [0], [1], [0, 0, 1, 1], [], []>, transpose_lhs_hint = false} : vector<64x64xf32>, vector<64x64xf32>, vector<64x64xf32> -> vector<64x64xf32>
    %mul3A_592 = arith.constant 1.500000e+00 : f32
    %mul3A_593 = vector.broadcast %mul3A_592 : f32 to vector<64x64xf32>
    %mul3A_594 = arith.mulf %mul3A_593, %convert_element_type3A_1 : vector<64x64xf32>
    %dot_general3A_595 = arith.constant dense<0.000000e+00> : vector<64x64xf32>
    %dot_general3A_596 = tpu.matmul %dot_general3A_591, %dot_general3A_589, %dot_general3A_595 {dimension_numbers = #tpu.dot_dimension_numbers<[1], [0], [0], [1], [0, 0, 1, 1], [], []>, transpose_lhs_hint = false} : vector<64x64xf32>, vector<64x64xf32>, vector<64x64xf32> -> vector<64x64xf32>
    %mul3A_597 = arith.constant 5.000000e-01 : f32
    %mul3A_598 = vector.broadcast %mul3A_597 : f32 to vector<64x64xf32>
    %mul3A_599 = arith.mulf %mul3A_598, %dot_general3A_596 : vector<64x64xf32>
    %sub3A_600 = arith.subf %mul3A_594, %mul3A_599 : vector<64x64xf32>
    %dot_general3A_601 = arith.constant dense<0.000000e+00> : vector<64x64xf32>
    %dot_general3A_602 = tpu.matmul %dot_general3A_589, %sub3A_600, %dot_general3A_601 {dimension_numbers = #tpu.dot_dimension_numbers<[1], [0], [0], [1], [0, 0, 1, 1], [], []>, transpose_lhs_hint = false} : vector<64x64xf32>, vector<64x64xf32>, vector<64x64xf32> -> vector<64x64xf32>
    %dot_general3A_603 = arith.constant dense<0.000000e+00> : vector<64x64xf32>
    %dot_general3A_604 = tpu.matmul %sub3A_600, %dot_general3A_591, %dot_general3A_603 {dimension_numbers = #tpu.dot_dimension_numbers<[1], [0], [0], [1], [0, 0, 1, 1], [], []>, transpose_lhs_hint = false} : vector<64x64xf32>, vector<64x64xf32>, vector<64x64xf32> -> vector<64x64xf32>
    %mul3A_605 = arith.constant 1.500000e+00 : f32
    %mul3A_606 = vector.broadcast %mul3A_605 : f32 to vector<64x64xf32>
    %mul3A_607 = arith.mulf %mul3A_606, %convert_element_type3A_1 : vector<64x64xf32>
    %dot_general3A_608 = arith.constant dense<0.000000e+00> : vector<64x64xf32>
    %dot_general3A_609 = tpu.matmul %dot_general3A_604, %dot_general3A_602, %dot_general3A_608 {dimension_numbers = #tpu.dot_dimension_numbers<[1], [0], [0], [1], [0, 0, 1, 1], [], []>, transpose_lhs_hint = false} : vector<64x64xf32>, vector<64x64xf32>, vector<64x64xf32> -> vector<64x64xf32>
    %mul3A_610 = arith.constant 5.000000e-01 : f32
    %mul3A_611 = vector.broadcast %mul3A_610 : f32 to vector<64x64xf32>
    %mul3A_612 = arith.mulf %mul3A_611, %dot_general3A_609 : vector<64x64xf32>
    %sub3A_613 = arith.subf %mul3A_607, %mul3A_612 : vector<64x64xf32>
    %dot_general3A_614 = arith.constant dense<0.000000e+00> : vector<64x64xf32>
    %dot_general3A_615 = tpu.matmul %dot_general3A_602, %sub3A_613, %dot_general3A_614 {dimension_numbers = #tpu.dot_dimension_numbers<[1], [0], [0], [1], [0, 0, 1, 1], [], []>, transpose_lhs_hint = false} : vector<64x64xf32>, vector<64x64xf32>, vector<64x64xf32> -> vector<64x64xf32>
    %dot_general3A_616 = arith.constant dense<0.000000e+00> : vector<64x64xf32>
    %dot_general3A_617 = tpu.matmul %sub3A_613, %dot_general3A_604, %dot_general3A_616 {dimension_numbers = #tpu.dot_dimension_numbers<[1], [0], [0], [1], [0, 0, 1, 1], [], []>, transpose_lhs_hint = false} : vector<64x64xf32>, vector<64x64xf32>, vector<64x64xf32> -> vector<64x64xf32>
    %mul3A_618 = arith.constant 1.500000e+00 : f32
    %mul3A_619 = vector.broadcast %mul3A_618 : f32 to vector<64x64xf32>
    %mul3A_620 = arith.mulf %mul3A_619, %convert_element_type3A_1 : vector<64x64xf32>
    %dot_general3A_621 = arith.constant dense<0.000000e+00> : vector<64x64xf32>
    %dot_general3A_622 = tpu.matmul %dot_general3A_617, %dot_general3A_615, %dot_general3A_621 {dimension_numbers = #tpu.dot_dimension_numbers<[1], [0], [0], [1], [0, 0, 1, 1], [], []>, transpose_lhs_hint = false} : vector<64x64xf32>, vector<64x64xf32>, vector<64x64xf32> -> vector<64x64xf32>
    %mul3A_623 = arith.constant 5.000000e-01 : f32
    %mul3A_624 = vector.broadcast %mul3A_623 : f32 to vector<64x64xf32>
    %mul3A_625 = arith.mulf %mul3A_624, %dot_general3A_622 : vector<64x64xf32>
    %sub3A_626 = arith.subf %mul3A_620, %mul3A_625 : vector<64x64xf32>
    %dot_general3A_627 = arith.constant dense<0.000000e+00> : vector<64x64xf32>
    %dot_general3A_628 = tpu.matmul %dot_general3A_615, %sub3A_626, %dot_general3A_627 {dimension_numbers = #tpu.dot_dimension_numbers<[1], [0], [0], [1], [0, 0, 1, 1], [], []>, transpose_lhs_hint = false} : vector<64x64xf32>, vector<64x64xf32>, vector<64x64xf32> -> vector<64x64xf32>
    %dot_general3A_629 = arith.constant dense<0.000000e+00> : vector<64x64xf32>
    %dot_general3A_630 = tpu.matmul %sub3A_626, %dot_general3A_617, %dot_general3A_629 {dimension_numbers = #tpu.dot_dimension_numbers<[1], [0], [0], [1], [0, 0, 1, 1], [], []>, transpose_lhs_hint = false} : vector<64x64xf32>, vector<64x64xf32>, vector<64x64xf32> -> vector<64x64xf32>
    %mul3A_631 = arith.constant 1.500000e+00 : f32
    %mul3A_632 = vector.broadcast %mul3A_631 : f32 to vector<64x64xf32>
    %mul3A_633 = arith.mulf %mul3A_632, %convert_element_type3A_1 : vector<64x64xf32>
    %dot_general3A_634 = arith.constant dense<0.000000e+00> : vector<64x64xf32>
    %dot_general3A_635 = tpu.matmul %dot_general3A_630, %dot_general3A_628, %dot_general3A_634 {dimension_numbers = #tpu.dot_dimension_numbers<[1], [0], [0], [1], [0, 0, 1, 1], [], []>, transpose_lhs_hint = false} : vector<64x64xf32>, vector<64x64xf32>, vector<64x64xf32> -> vector<64x64xf32>
    %mul3A_636 = arith.constant 5.000000e-01 : f32
    %mul3A_637 = vector.broadcast %mul3A_636 : f32 to vector<64x64xf32>
    %mul3A_638 = arith.mulf %mul3A_637, %dot_general3A_635 : vector<64x64xf32>
    %sub3A_639 = arith.subf %mul3A_633, %mul3A_638 : vector<64x64xf32>
    %dot_general3A_640 = arith.constant dense<0.000000e+00> : vector<64x64xf32>
    %dot_general3A_641 = tpu.matmul %dot_general3A_628, %sub3A_639, %dot_general3A_640 {dimension_numbers = #tpu.dot_dimension_numbers<[1], [0], [0], [1], [0, 0, 1, 1], [], []>, transpose_lhs_hint = false} : vector<64x64xf32>, vector<64x64xf32>, vector<64x64xf32> -> vector<64x64xf32>
    %dot_general3A_642 = arith.constant dense<0.000000e+00> : vector<64x64xf32>
    %dot_general3A_643 = tpu.matmul %sub3A_639, %dot_general3A_630, %dot_general3A_642 {dimension_numbers = #tpu.dot_dimension_numbers<[1], [0], [0], [1], [0, 0, 1, 1], [], []>, transpose_lhs_hint = false} : vector<64x64xf32>, vector<64x64xf32>, vector<64x64xf32> -> vector<64x64xf32>
    %mul3A_644 = arith.constant 1.500000e+00 : f32
    %mul3A_645 = vector.broadcast %mul3A_644 : f32 to vector<64x64xf32>
    %mul3A_646 = arith.mulf %mul3A_645, %convert_element_type3A_1 : vector<64x64xf32>
    %dot_general3A_647 = arith.constant dense<0.000000e+00> : vector<64x64xf32>
    %dot_general3A_648 = tpu.matmul %dot_general3A_643, %dot_general3A_641, %dot_general3A_647 {dimension_numbers = #tpu.dot_dimension_numbers<[1], [0], [0], [1], [0, 0, 1, 1], [], []>, transpose_lhs_hint = false} : vector<64x64xf32>, vector<64x64xf32>, vector<64x64xf32> -> vector<64x64xf32>
    %mul3A_649 = arith.constant 5.000000e-01 : f32
    %mul3A_650 = vector.broadcast %mul3A_649 : f32 to vector<64x64xf32>
    %mul3A_651 = arith.mulf %mul3A_650, %dot_general3A_648 : vector<64x64xf32>
    %sub3A_652 = arith.subf %mul3A_646, %mul3A_651 : vector<64x64xf32>
    %dot_general3A_653 = arith.constant dense<0.000000e+00> : vector<64x64xf32>
    %dot_general3A_654 = tpu.matmul %dot_general3A_641, %sub3A_652, %dot_general3A_653 {dimension_numbers = #tpu.dot_dimension_numbers<[1], [0], [0], [1], [0, 0, 1, 1], [], []>, transpose_lhs_hint = false} : vector<64x64xf32>, vector<64x64xf32>, vector<64x64xf32> -> vector<64x64xf32>
    %dot_general3A_655 = arith.constant dense<0.000000e+00> : vector<64x64xf32>
    %dot_general3A_656 = tpu.matmul %sub3A_652, %dot_general3A_643, %dot_general3A_655 {dimension_numbers = #tpu.dot_dimension_numbers<[1], [0], [0], [1], [0, 0, 1, 1], [], []>, transpose_lhs_hint = false} : vector<64x64xf32>, vector<64x64xf32>, vector<64x64xf32> -> vector<64x64xf32>
    %mul3A_657 = arith.constant 1.500000e+00 : f32
    %mul3A_658 = vector.broadcast %mul3A_657 : f32 to vector<64x64xf32>
    %mul3A_659 = arith.mulf %mul3A_658, %convert_element_type3A_1 : vector<64x64xf32>
    %dot_general3A_660 = arith.constant dense<0.000000e+00> : vector<64x64xf32>
    %dot_general3A_661 = tpu.matmul %dot_general3A_656, %dot_general3A_654, %dot_general3A_660 {dimension_numbers = #tpu.dot_dimension_numbers<[1], [0], [0], [1], [0, 0, 1, 1], [], []>, transpose_lhs_hint = false} : vector<64x64xf32>, vector<64x64xf32>, vector<64x64xf32> -> vector<64x64xf32>
    %mul3A_662 = arith.constant 5.000000e-01 : f32
    %mul3A_663 = vector.broadcast %mul3A_662 : f32 to vector<64x64xf32>
    %mul3A_664 = arith.mulf %mul3A_663, %dot_general3A_661 : vector<64x64xf32>
    %sub3A_665 = arith.subf %mul3A_659, %mul3A_664 : vector<64x64xf32>
    %dot_general3A_666 = arith.constant dense<0.000000e+00> : vector<64x64xf32>
    %dot_general3A_667 = tpu.matmul %dot_general3A_654, %sub3A_665, %dot_general3A_666 {dimension_numbers = #tpu.dot_dimension_numbers<[1], [0], [0], [1], [0, 0, 1, 1], [], []>, transpose_lhs_hint = false} : vector<64x64xf32>, vector<64x64xf32>, vector<64x64xf32> -> vector<64x64xf32>
    %dot_general3A_668 = arith.constant dense<0.000000e+00> : vector<64x64xf32>
    %dot_general3A_669 = tpu.matmul %sub3A_665, %dot_general3A_656, %dot_general3A_668 {dimension_numbers = #tpu.dot_dimension_numbers<[1], [0], [0], [1], [0, 0, 1, 1], [], []>, transpose_lhs_hint = false} : vector<64x64xf32>, vector<64x64xf32>, vector<64x64xf32> -> vector<64x64xf32>
    %mul3A_670 = arith.constant 1.500000e+00 : f32
    %mul3A_671 = vector.broadcast %mul3A_670 : f32 to vector<64x64xf32>
    %mul3A_672 = arith.mulf %mul3A_671, %convert_element_type3A_1 : vector<64x64xf32>
    %dot_general3A_673 = arith.constant dense<0.000000e+00> : vector<64x64xf32>
    %dot_general3A_674 = tpu.matmul %dot_general3A_669, %dot_general3A_667, %dot_general3A_673 {dimension_numbers = #tpu.dot_dimension_numbers<[1], [0], [0], [1], [0, 0, 1, 1], [], []>, transpose_lhs_hint = false} : vector<64x64xf32>, vector<64x64xf32>, vector<64x64xf32> -> vector<64x64xf32>
    %mul3A_675 = arith.constant 5.000000e-01 : f32
    %mul3A_676 = vector.broadcast %mul3A_675 : f32 to vector<64x64xf32>
    %mul3A_677 = arith.mulf %mul3A_676, %dot_general3A_674 : vector<64x64xf32>
    %sub3A_678 = arith.subf %mul3A_672, %mul3A_677 : vector<64x64xf32>
    %dot_general3A_679 = arith.constant dense<0.000000e+00> : vector<64x64xf32>
    %dot_general3A_680 = tpu.matmul %dot_general3A_667, %sub3A_678, %dot_general3A_679 {dimension_numbers = #tpu.dot_dimension_numbers<[1], [0], [0], [1], [0, 0, 1, 1], [], []>, transpose_lhs_hint = false} : vector<64x64xf32>, vector<64x64xf32>, vector<64x64xf32> -> vector<64x64xf32>
    %dot_general3A_681 = arith.constant dense<0.000000e+00> : vector<64x64xf32>
    %dot_general3A_682 = tpu.matmul %sub3A_678, %dot_general3A_669, %dot_general3A_681 {dimension_numbers = #tpu.dot_dimension_numbers<[1], [0], [0], [1], [0, 0, 1, 1], [], []>, transpose_lhs_hint = false} : vector<64x64xf32>, vector<64x64xf32>, vector<64x64xf32> -> vector<64x64xf32>
    %mul3A_683 = arith.constant 1.500000e+00 : f32
    %mul3A_684 = vector.broadcast %mul3A_683 : f32 to vector<64x64xf32>
    %mul3A_685 = arith.mulf %mul3A_684, %convert_element_type3A_1 : vector<64x64xf32>
    %dot_general3A_686 = arith.constant dense<0.000000e+00> : vector<64x64xf32>
    %dot_general3A_687 = tpu.matmul %dot_general3A_682, %dot_general3A_680, %dot_general3A_686 {dimension_numbers = #tpu.dot_dimension_numbers<[1], [0], [0], [1], [0, 0, 1, 1], [], []>, transpose_lhs_hint = false} : vector<64x64xf32>, vector<64x64xf32>, vector<64x64xf32> -> vector<64x64xf32>
    %mul3A_688 = arith.constant 5.000000e-01 : f32
    %mul3A_689 = vector.broadcast %mul3A_688 : f32 to vector<64x64xf32>
    %mul3A_690 = arith.mulf %mul3A_689, %dot_general3A_687 : vector<64x64xf32>
    %sub3A_691 = arith.subf %mul3A_685, %mul3A_690 : vector<64x64xf32>
    %dot_general3A_692 = arith.constant dense<0.000000e+00> : vector<64x64xf32>
    %dot_general3A_693 = tpu.matmul %dot_general3A_680, %sub3A_691, %dot_general3A_692 {dimension_numbers = #tpu.dot_dimension_numbers<[1], [0], [0], [1], [0, 0, 1, 1], [], []>, transpose_lhs_hint = false} : vector<64x64xf32>, vector<64x64xf32>, vector<64x64xf32> -> vector<64x64xf32>
    %dot_general3A_694 = arith.constant dense<0.000000e+00> : vector<64x64xf32>
    %dot_general3A_695 = tpu.matmul %sub3A_691, %dot_general3A_682, %dot_general3A_694 {dimension_numbers = #tpu.dot_dimension_numbers<[1], [0], [0], [1], [0, 0, 1, 1], [], []>, transpose_lhs_hint = false} : vector<64x64xf32>, vector<64x64xf32>, vector<64x64xf32> -> vector<64x64xf32>
    %mul3A_696 = arith.constant 1.500000e+00 : f32
    %mul3A_697 = vector.broadcast %mul3A_696 : f32 to vector<64x64xf32>
    %mul3A_698 = arith.mulf %mul3A_697, %convert_element_type3A_1 : vector<64x64xf32>
    %dot_general3A_699 = arith.constant dense<0.000000e+00> : vector<64x64xf32>
    %dot_general3A_700 = tpu.matmul %dot_general3A_695, %dot_general3A_693, %dot_general3A_699 {dimension_numbers = #tpu.dot_dimension_numbers<[1], [0], [0], [1], [0, 0, 1, 1], [], []>, transpose_lhs_hint = false} : vector<64x64xf32>, vector<64x64xf32>, vector<64x64xf32> -> vector<64x64xf32>
    %mul3A_701 = arith.constant 5.000000e-01 : f32
    %mul3A_702 = vector.broadcast %mul3A_701 : f32 to vector<64x64xf32>
    %mul3A_703 = arith.mulf %mul3A_702, %dot_general3A_700 : vector<64x64xf32>
    %sub3A_704 = arith.subf %mul3A_698, %mul3A_703 : vector<64x64xf32>
    %dot_general3A_705 = arith.constant dense<0.000000e+00> : vector<64x64xf32>
    %dot_general3A_706 = tpu.matmul %dot_general3A_693, %sub3A_704, %dot_general3A_705 {dimension_numbers = #tpu.dot_dimension_numbers<[1], [0], [0], [1], [0, 0, 1, 1], [], []>, transpose_lhs_hint = false} : vector<64x64xf32>, vector<64x64xf32>, vector<64x64xf32> -> vector<64x64xf32>
    %dot_general3A_707 = arith.constant dense<0.000000e+00> : vector<64x64xf32>
    %dot_general3A_708 = tpu.matmul %sub3A_704, %dot_general3A_695, %dot_general3A_707 {dimension_numbers = #tpu.dot_dimension_numbers<[1], [0], [0], [1], [0, 0, 1, 1], [], []>, transpose_lhs_hint = false} : vector<64x64xf32>, vector<64x64xf32>, vector<64x64xf32> -> vector<64x64xf32>
    %mul3A_709 = arith.constant 1.500000e+00 : f32
    %mul3A_710 = vector.broadcast %mul3A_709 : f32 to vector<64x64xf32>
    %mul3A_711 = arith.mulf %mul3A_710, %convert_element_type3A_1 : vector<64x64xf32>
    %dot_general3A_712 = arith.constant dense<0.000000e+00> : vector<64x64xf32>
    %dot_general3A_713 = tpu.matmul %dot_general3A_708, %dot_general3A_706, %dot_general3A_712 {dimension_numbers = #tpu.dot_dimension_numbers<[1], [0], [0], [1], [0, 0, 1, 1], [], []>, transpose_lhs_hint = false} : vector<64x64xf32>, vector<64x64xf32>, vector<64x64xf32> -> vector<64x64xf32>
    %mul3A_714 = arith.constant 5.000000e-01 : f32
    %mul3A_715 = vector.broadcast %mul3A_714 : f32 to vector<64x64xf32>
    %mul3A_716 = arith.mulf %mul3A_715, %dot_general3A_713 : vector<64x64xf32>
    %sub3A_717 = arith.subf %mul3A_711, %mul3A_716 : vector<64x64xf32>
    %dot_general3A_718 = arith.constant dense<0.000000e+00> : vector<64x64xf32>
    %dot_general3A_719 = tpu.matmul %dot_general3A_706, %sub3A_717, %dot_general3A_718 {dimension_numbers = #tpu.dot_dimension_numbers<[1], [0], [0], [1], [0, 0, 1, 1], [], []>, transpose_lhs_hint = false} : vector<64x64xf32>, vector<64x64xf32>, vector<64x64xf32> -> vector<64x64xf32>
    %dot_general3A_720 = arith.constant dense<0.000000e+00> : vector<64x64xf32>
    %dot_general3A_721 = tpu.matmul %sub3A_717, %dot_general3A_708, %dot_general3A_720 {dimension_numbers = #tpu.dot_dimension_numbers<[1], [0], [0], [1], [0, 0, 1, 1], [], []>, transpose_lhs_hint = false} : vector<64x64xf32>, vector<64x64xf32>, vector<64x64xf32> -> vector<64x64xf32>
    %mul3A_722 = arith.constant 1.500000e+00 : f32
    %mul3A_723 = vector.broadcast %mul3A_722 : f32 to vector<64x64xf32>
    %mul3A_724 = arith.mulf %mul3A_723, %convert_element_type3A_1 : vector<64x64xf32>
    %dot_general3A_725 = arith.constant dense<0.000000e+00> : vector<64x64xf32>
    %dot_general3A_726 = tpu.matmul %dot_general3A_721, %dot_general3A_719, %dot_general3A_725 {dimension_numbers = #tpu.dot_dimension_numbers<[1], [0], [0], [1], [0, 0, 1, 1], [], []>, transpose_lhs_hint = false} : vector<64x64xf32>, vector<64x64xf32>, vector<64x64xf32> -> vector<64x64xf32>
    %mul3A_727 = arith.constant 5.000000e-01 : f32
    %mul3A_728 = vector.broadcast %mul3A_727 : f32 to vector<64x64xf32>
    %mul3A_729 = arith.mulf %mul3A_728, %dot_general3A_726 : vector<64x64xf32>
    %sub3A_730 = arith.subf %mul3A_724, %mul3A_729 : vector<64x64xf32>
    %dot_general3A_731 = arith.constant dense<0.000000e+00> : vector<64x64xf32>
    %dot_general3A_732 = tpu.matmul %dot_general3A_719, %sub3A_730, %dot_general3A_731 {dimension_numbers = #tpu.dot_dimension_numbers<[1], [0], [0], [1], [0, 0, 1, 1], [], []>, transpose_lhs_hint = false} : vector<64x64xf32>, vector<64x64xf32>, vector<64x64xf32> -> vector<64x64xf32>
    %dot_general3A_733 = arith.constant dense<0.000000e+00> : vector<64x64xf32>
    %dot_general3A_734 = tpu.matmul %sub3A_730, %dot_general3A_721, %dot_general3A_733 {dimension_numbers = #tpu.dot_dimension_numbers<[1], [0], [0], [1], [0, 0, 1, 1], [], []>, transpose_lhs_hint = false} : vector<64x64xf32>, vector<64x64xf32>, vector<64x64xf32> -> vector<64x64xf32>
    %mul3A_735 = arith.constant 1.500000e+00 : f32
    %mul3A_736 = vector.broadcast %mul3A_735 : f32 to vector<64x64xf32>
    %mul3A_737 = arith.mulf %mul3A_736, %convert_element_type3A_1 : vector<64x64xf32>
    %dot_general3A_738 = arith.constant dense<0.000000e+00> : vector<64x64xf32>
    %dot_general3A_739 = tpu.matmul %dot_general3A_734, %dot_general3A_732, %dot_general3A_738 {dimension_numbers = #tpu.dot_dimension_numbers<[1], [0], [0], [1], [0, 0, 1, 1], [], []>, transpose_lhs_hint = false} : vector<64x64xf32>, vector<64x64xf32>, vector<64x64xf32> -> vector<64x64xf32>
    %mul3A_740 = arith.constant 5.000000e-01 : f32
    %mul3A_741 = vector.broadcast %mul3A_740 : f32 to vector<64x64xf32>
    %mul3A_742 = arith.mulf %mul3A_741, %dot_general3A_739 : vector<64x64xf32>
    %sub3A_743 = arith.subf %mul3A_737, %mul3A_742 : vector<64x64xf32>
    %dot_general3A_744 = arith.constant dense<0.000000e+00> : vector<64x64xf32>
    %dot_general3A_745 = tpu.matmul %dot_general3A_732, %sub3A_743, %dot_general3A_744 {dimension_numbers = #tpu.dot_dimension_numbers<[1], [0], [0], [1], [0, 0, 1, 1], [], []>, transpose_lhs_hint = false} : vector<64x64xf32>, vector<64x64xf32>, vector<64x64xf32> -> vector<64x64xf32>
    %dot_general3A_746 = arith.constant dense<0.000000e+00> : vector<64x64xf32>
    %dot_general3A_747 = tpu.matmul %sub3A_743, %dot_general3A_734, %dot_general3A_746 {dimension_numbers = #tpu.dot_dimension_numbers<[1], [0], [0], [1], [0, 0, 1, 1], [], []>, transpose_lhs_hint = false} : vector<64x64xf32>, vector<64x64xf32>, vector<64x64xf32> -> vector<64x64xf32>
    %mul3A_748 = arith.constant 1.500000e+00 : f32
    %mul3A_749 = vector.broadcast %mul3A_748 : f32 to vector<64x64xf32>
    %mul3A_750 = arith.mulf %mul3A_749, %convert_element_type3A_1 : vector<64x64xf32>
    %dot_general3A_751 = arith.constant dense<0.000000e+00> : vector<64x64xf32>
    %dot_general3A_752 = tpu.matmul %dot_general3A_747, %dot_general3A_745, %dot_general3A_751 {dimension_numbers = #tpu.dot_dimension_numbers<[1], [0], [0], [1], [0, 0, 1, 1], [], []>, transpose_lhs_hint = false} : vector<64x64xf32>, vector<64x64xf32>, vector<64x64xf32> -> vector<64x64xf32>
    %mul3A_753 = arith.constant 5.000000e-01 : f32
    %mul3A_754 = vector.broadcast %mul3A_753 : f32 to vector<64x64xf32>
    %mul3A_755 = arith.mulf %mul3A_754, %dot_general3A_752 : vector<64x64xf32>
    %sub3A_756 = arith.subf %mul3A_750, %mul3A_755 : vector<64x64xf32>
    %dot_general3A_757 = arith.constant dense<0.000000e+00> : vector<64x64xf32>
    %dot_general3A_758 = tpu.matmul %dot_general3A_745, %sub3A_756, %dot_general3A_757 {dimension_numbers = #tpu.dot_dimension_numbers<[1], [0], [0], [1], [0, 0, 1, 1], [], []>, transpose_lhs_hint = false} : vector<64x64xf32>, vector<64x64xf32>, vector<64x64xf32> -> vector<64x64xf32>
    %dot_general3A_759 = arith.constant dense<0.000000e+00> : vector<64x64xf32>
    %dot_general3A_760 = tpu.matmul %sub3A_756, %dot_general3A_747, %dot_general3A_759 {dimension_numbers = #tpu.dot_dimension_numbers<[1], [0], [0], [1], [0, 0, 1, 1], [], []>, transpose_lhs_hint = false} : vector<64x64xf32>, vector<64x64xf32>, vector<64x64xf32> -> vector<64x64xf32>
    %mul3A_761 = arith.constant 1.500000e+00 : f32
    %mul3A_762 = vector.broadcast %mul3A_761 : f32 to vector<64x64xf32>
    %mul3A_763 = arith.mulf %mul3A_762, %convert_element_type3A_1 : vector<64x64xf32>
    %dot_general3A_764 = arith.constant dense<0.000000e+00> : vector<64x64xf32>
    %dot_general3A_765 = tpu.matmul %dot_general3A_760, %dot_general3A_758, %dot_general3A_764 {dimension_numbers = #tpu.dot_dimension_numbers<[1], [0], [0], [1], [0, 0, 1, 1], [], []>, transpose_lhs_hint = false} : vector<64x64xf32>, vector<64x64xf32>, vector<64x64xf32> -> vector<64x64xf32>
    %mul3A_766 = arith.constant 5.000000e-01 : f32
    %mul3A_767 = vector.broadcast %mul3A_766 : f32 to vector<64x64xf32>
    %mul3A_768 = arith.mulf %mul3A_767, %dot_general3A_765 : vector<64x64xf32>
    %sub3A_769 = arith.subf %mul3A_763, %mul3A_768 : vector<64x64xf32>
    %dot_general3A_770 = arith.constant dense<0.000000e+00> : vector<64x64xf32>
    %dot_general3A_771 = tpu.matmul %dot_general3A_758, %sub3A_769, %dot_general3A_770 {dimension_numbers = #tpu.dot_dimension_numbers<[1], [0], [0], [1], [0, 0, 1, 1], [], []>, transpose_lhs_hint = false} : vector<64x64xf32>, vector<64x64xf32>, vector<64x64xf32> -> vector<64x64xf32>
    %dot_general3A_772 = arith.constant dense<0.000000e+00> : vector<64x64xf32>
    %dot_general3A_773 = tpu.matmul %sub3A_769, %dot_general3A_760, %dot_general3A_772 {dimension_numbers = #tpu.dot_dimension_numbers<[1], [0], [0], [1], [0, 0, 1, 1], [], []>, transpose_lhs_hint = false} : vector<64x64xf32>, vector<64x64xf32>, vector<64x64xf32> -> vector<64x64xf32>
    %mul3A_774 = arith.constant 1.500000e+00 : f32
    %mul3A_775 = vector.broadcast %mul3A_774 : f32 to vector<64x64xf32>
    %mul3A_776 = arith.mulf %mul3A_775, %convert_element_type3A_1 : vector<64x64xf32>
    %dot_general3A_777 = arith.constant dense<0.000000e+00> : vector<64x64xf32>
    %dot_general3A_778 = tpu.matmul %dot_general3A_773, %dot_general3A_771, %dot_general3A_777 {dimension_numbers = #tpu.dot_dimension_numbers<[1], [0], [0], [1], [0, 0, 1, 1], [], []>, transpose_lhs_hint = false} : vector<64x64xf32>, vector<64x64xf32>, vector<64x64xf32> -> vector<64x64xf32>
    %mul3A_779 = arith.constant 5.000000e-01 : f32
    %mul3A_780 = vector.broadcast %mul3A_779 : f32 to vector<64x64xf32>
    %mul3A_781 = arith.mulf %mul3A_780, %dot_general3A_778 : vector<64x64xf32>
    %sub3A_782 = arith.subf %mul3A_776, %mul3A_781 : vector<64x64xf32>
    %dot_general3A_783 = arith.constant dense<0.000000e+00> : vector<64x64xf32>
    %dot_general3A_784 = tpu.matmul %dot_general3A_771, %sub3A_782, %dot_general3A_783 {dimension_numbers = #tpu.dot_dimension_numbers<[1], [0], [0], [1], [0, 0, 1, 1], [], []>, transpose_lhs_hint = false} : vector<64x64xf32>, vector<64x64xf32>, vector<64x64xf32> -> vector<64x64xf32>
    %dot_general3A_785 = arith.constant dense<0.000000e+00> : vector<64x64xf32>
    %dot_general3A_786 = tpu.matmul %sub3A_782, %dot_general3A_773, %dot_general3A_785 {dimension_numbers = #tpu.dot_dimension_numbers<[1], [0], [0], [1], [0, 0, 1, 1], [], []>, transpose_lhs_hint = false} : vector<64x64xf32>, vector<64x64xf32>, vector<64x64xf32> -> vector<64x64xf32>
    %mul3A_787 = arith.constant 1.500000e+00 : f32
    %mul3A_788 = vector.broadcast %mul3A_787 : f32 to vector<64x64xf32>
    %mul3A_789 = arith.mulf %mul3A_788, %convert_element_type3A_1 : vector<64x64xf32>
    %dot_general3A_790 = arith.constant dense<0.000000e+00> : vector<64x64xf32>
    %dot_general3A_791 = tpu.matmul %dot_general3A_786, %dot_general3A_784, %dot_general3A_790 {dimension_numbers = #tpu.dot_dimension_numbers<[1], [0], [0], [1], [0, 0, 1, 1], [], []>, transpose_lhs_hint = false} : vector<64x64xf32>, vector<64x64xf32>, vector<64x64xf32> -> vector<64x64xf32>
    %mul3A_792 = arith.constant 5.000000e-01 : f32
    %mul3A_793 = vector.broadcast %mul3A_792 : f32 to vector<64x64xf32>
    %mul3A_794 = arith.mulf %mul3A_793, %dot_general3A_791 : vector<64x64xf32>
    %sub3A_795 = arith.subf %mul3A_789, %mul3A_794 : vector<64x64xf32>
    %dot_general3A_796 = arith.constant dense<0.000000e+00> : vector<64x64xf32>
    %dot_general3A_797 = tpu.matmul %dot_general3A_784, %sub3A_795, %dot_general3A_796 {dimension_numbers = #tpu.dot_dimension_numbers<[1], [0], [0], [1], [0, 0, 1, 1], [], []>, transpose_lhs_hint = false} : vector<64x64xf32>, vector<64x64xf32>, vector<64x64xf32> -> vector<64x64xf32>
    %dot_general3A_798 = arith.constant dense<0.000000e+00> : vector<64x64xf32>
    %dot_general3A_799 = tpu.matmul %sub3A_795, %dot_general3A_786, %dot_general3A_798 {dimension_numbers = #tpu.dot_dimension_numbers<[1], [0], [0], [1], [0, 0, 1, 1], [], []>, transpose_lhs_hint = false} : vector<64x64xf32>, vector<64x64xf32>, vector<64x64xf32> -> vector<64x64xf32>
    %mul3A_800 = arith.constant 1.500000e+00 : f32
    %mul3A_801 = vector.broadcast %mul3A_800 : f32 to vector<64x64xf32>
    %mul3A_802 = arith.mulf %mul3A_801, %convert_element_type3A_1 : vector<64x64xf32>
    %dot_general3A_803 = arith.constant dense<0.000000e+00> : vector<64x64xf32>
    %dot_general3A_804 = tpu.matmul %dot_general3A_799, %dot_general3A_797, %dot_general3A_803 {dimension_numbers = #tpu.dot_dimension_numbers<[1], [0], [0], [1], [0, 0, 1, 1], [], []>, transpose_lhs_hint = false} : vector<64x64xf32>, vector<64x64xf32>, vector<64x64xf32> -> vector<64x64xf32>
    %mul3A_805 = arith.constant 5.000000e-01 : f32
    %mul3A_806 = vector.broadcast %mul3A_805 : f32 to vector<64x64xf32>
    %mul3A_807 = arith.mulf %mul3A_806, %dot_general3A_804 : vector<64x64xf32>
    %sub3A_808 = arith.subf %mul3A_802, %mul3A_807 : vector<64x64xf32>
    %dot_general3A_809 = arith.constant dense<0.000000e+00> : vector<64x64xf32>
    %dot_general3A_810 = tpu.matmul %dot_general3A_797, %sub3A_808, %dot_general3A_809 {dimension_numbers = #tpu.dot_dimension_numbers<[1], [0], [0], [1], [0, 0, 1, 1], [], []>, transpose_lhs_hint = false} : vector<64x64xf32>, vector<64x64xf32>, vector<64x64xf32> -> vector<64x64xf32>
    %dot_general3A_811 = arith.constant dense<0.000000e+00> : vector<64x64xf32>
    %dot_general3A_812 = tpu.matmul %sub3A_808, %dot_general3A_799, %dot_general3A_811 {dimension_numbers = #tpu.dot_dimension_numbers<[1], [0], [0], [1], [0, 0, 1, 1], [], []>, transpose_lhs_hint = false} : vector<64x64xf32>, vector<64x64xf32>, vector<64x64xf32> -> vector<64x64xf32>
    %mul3A_813 = arith.constant 1.500000e+00 : f32
    %mul3A_814 = vector.broadcast %mul3A_813 : f32 to vector<64x64xf32>
    %mul3A_815 = arith.mulf %mul3A_814, %convert_element_type3A_1 : vector<64x64xf32>
    %dot_general3A_816 = arith.constant dense<0.000000e+00> : vector<64x64xf32>
    %dot_general3A_817 = tpu.matmul %dot_general3A_812, %dot_general3A_810, %dot_general3A_816 {dimension_numbers = #tpu.dot_dimension_numbers<[1], [0], [0], [1], [0, 0, 1, 1], [], []>, transpose_lhs_hint = false} : vector<64x64xf32>, vector<64x64xf32>, vector<64x64xf32> -> vector<64x64xf32>
    %mul3A_818 = arith.constant 5.000000e-01 : f32
    %mul3A_819 = vector.broadcast %mul3A_818 : f32 to vector<64x64xf32>
    %mul3A_820 = arith.mulf %mul3A_819, %dot_general3A_817 : vector<64x64xf32>
    %sub3A_821 = arith.subf %mul3A_815, %mul3A_820 : vector<64x64xf32>
    %dot_general3A_822 = arith.constant dense<0.000000e+00> : vector<64x64xf32>
    %dot_general3A_823 = tpu.matmul %dot_general3A_810, %sub3A_821, %dot_general3A_822 {dimension_numbers = #tpu.dot_dimension_numbers<[1], [0], [0], [1], [0, 0, 1, 1], [], []>, transpose_lhs_hint = false} : vector<64x64xf32>, vector<64x64xf32>, vector<64x64xf32> -> vector<64x64xf32>
    %dot_general3A_824 = arith.constant dense<0.000000e+00> : vector<64x64xf32>
    %dot_general3A_825 = tpu.matmul %sub3A_821, %dot_general3A_812, %dot_general3A_824 {dimension_numbers = #tpu.dot_dimension_numbers<[1], [0], [0], [1], [0, 0, 1, 1], [], []>, transpose_lhs_hint = false} : vector<64x64xf32>, vector<64x64xf32>, vector<64x64xf32> -> vector<64x64xf32>
    %mul3A_826 = arith.constant 1.500000e+00 : f32
    %mul3A_827 = vector.broadcast %mul3A_826 : f32 to vector<64x64xf32>
    %mul3A_828 = arith.mulf %mul3A_827, %convert_element_type3A_1 : vector<64x64xf32>
    %dot_general3A_829 = arith.constant dense<0.000000e+00> : vector<64x64xf32>
    %dot_general3A_830 = tpu.matmul %dot_general3A_825, %dot_general3A_823, %dot_general3A_829 {dimension_numbers = #tpu.dot_dimension_numbers<[1], [0], [0], [1], [0, 0, 1, 1], [], []>, transpose_lhs_hint = false} : vector<64x64xf32>, vector<64x64xf32>, vector<64x64xf32> -> vector<64x64xf32>
    %mul3A_831 = arith.constant 5.000000e-01 : f32
    %mul3A_832 = vector.broadcast %mul3A_831 : f32 to vector<64x64xf32>
    %mul3A_833 = arith.mulf %mul3A_832, %dot_general3A_830 : vector<64x64xf32>
    %sub3A_834 = arith.subf %mul3A_828, %mul3A_833 : vector<64x64xf32>
    %dot_general3A_835 = arith.constant dense<0.000000e+00> : vector<64x64xf32>
    %dot_general3A_836 = tpu.matmul %dot_general3A_823, %sub3A_834, %dot_general3A_835 {dimension_numbers = #tpu.dot_dimension_numbers<[1], [0], [0], [1], [0, 0, 1, 1], [], []>, transpose_lhs_hint = false} : vector<64x64xf32>, vector<64x64xf32>, vector<64x64xf32> -> vector<64x64xf32>
    %sqrt3A_837 = math.sqrt %reduce_sum3A_446 : f32
    %mul3A_838 = vector.broadcast %sqrt3A_837 : f32 to vector<64x64xf32>
    %mul3A_839 = arith.mulf %dot_general3A_836, %mul3A_838 : vector<64x64xf32>
    %mul3A_840 = arith.mulf %add3A, %convert_element_type3A_1 : vector<64x64xf32>
    %reduce_sum3A_841 = vector.shape_cast %mul3A_840 : vector<64x64xf32> to vector<1x64x64xf32>
    %reduce_sum3A_842 = arith.constant dense<0.000000e+00> : vector<1xf32>
    %reduce_sum3A_843 = vector.multi_reduction <add>, %reduce_sum3A_841, %reduce_sum3A_842 [1, 2] : vector<1x64x64xf32> to vector<1xf32>
    %reduce_sum3A_844 = vector.shape_cast %reduce_sum3A_843 : vector<1xf32> to vector<1x1x1xf32>
    %reduce_sum3A_845 = vector.extract %reduce_sum3A_844[0, 0, 0] : f32 from vector<1x1x1xf32>
    %mul3A_846 = arith.mulf %add3A_32, %convert_element_type3A_1 : vector<64x64xf32>
    %reduce_sum3A_847 = vector.shape_cast %mul3A_846 : vector<64x64xf32> to vector<1x64x64xf32>
    %reduce_sum3A_848 = arith.constant dense<0.000000e+00> : vector<1xf32>
    %reduce_sum3A_849 = vector.multi_reduction <add>, %reduce_sum3A_847, %reduce_sum3A_848 [1, 2] : vector<1x64x64xf32> to vector<1xf32>
    %reduce_sum3A_850 = vector.shape_cast %reduce_sum3A_849 : vector<1xf32> to vector<1x1x1xf32>
    %reduce_sum3A_851 = vector.extract %reduce_sum3A_850[0, 0, 0] : f32 from vector<1x1x1xf32>
    %add3A_852 = arith.addf %reduce_sum3A_845, %reduce_sum3A_851 : f32
    %mul3A_853 = arith.mulf %mul3A_839, %convert_element_type3A_1 : vector<64x64xf32>
    %reduce_sum3A_854 = vector.shape_cast %mul3A_853 : vector<64x64xf32> to vector<1x64x64xf32>
    %reduce_sum3A_855 = arith.constant dense<0.000000e+00> : vector<1xf32>
    %reduce_sum3A_856 = vector.multi_reduction <add>, %reduce_sum3A_854, %reduce_sum3A_855 [1, 2] : vector<1x64x64xf32> to vector<1xf32>
    %reduce_sum3A_857 = vector.shape_cast %reduce_sum3A_856 : vector<1xf32> to vector<1x1x1xf32>
    %reduce_sum3A_858 = vector.extract %reduce_sum3A_857[0, 0, 0] : f32 from vector<1x1x1xf32>
    %mul3A_859 = arith.constant 2.000000e+00 : f32
    %mul3A_860 = arith.mulf %mul3A_859, %reduce_sum3A_858 : f32
    %sub3A_861 = arith.subf %add3A_852, %mul3A_860 : f32
    %add3A_862 = arith.addf %reduce_sum3A_38, %sub3A_861 : f32
    %max3A = arith.constant 0.000000e+00 : f32
    %max3A_863 = arith.maximumf %add3A_862, %max3A : f32
    %iota3A_864 = tpu.iota {dimensions = array<i32: 0>} : vector<128x128xi32>
    %iota3A_865 = tpu.iota {dimensions = array<i32: 1>} : vector<128x128xi32>
    %eq3A_866 = arith.cmpi eq, %iota3A_864, %iota3A_865 : vector<128x128xi32>
    %convert_element_type3A_867 = arith.extui %eq3A_866 : vector<128x128xi1> to vector<128x128xi32>
    %convert_element_type3A_868 = arith.sitofp %convert_element_type3A_867 : vector<128x128xi32> to vector<128x128xf32>
    %get3A_869 = arith.constant 0 : index
    %get3A_870 = arith.constant 0 : index
    %get3A_871 = vector.load %arg3[%get3A_869, %get3A_870] : memref<16x128xf32, #tpu.memory_space<vmem>>, vector<16x128xf32>
    %dot_general3A_872 = arith.constant dense<0.000000e+00> : vector<128x16xf32>
    %dot_general3A_873 = tpu.matmul %convert_element_type3A_868, %get3A_871, %dot_general3A_872 {dimension_numbers = #tpu.dot_dimension_numbers<[1], [1], [0], [0], [0, 0, 1, 0], [], []>, transpose_lhs_hint = false} : vector<128x128xf32>, vector<16x128xf32>, vector<128x16xf32> -> vector<128x16xf32>
    %get3A_874 = arith.constant 0 : index
    %get3A_875 = arith.constant 0 : index
    %get3A_876 = vector.load %arg4[%get3A_874, %get3A_875] : memref<16x128xi32, #tpu.memory_space<vmem>>, vector<16x128xi32>
    %convert_element_type3A_877 = arith.sitofp %get3A_876 : vector<16x128xi32> to vector<16x128xf32>
    %dot_general3A_878 = arith.constant dense<0.000000e+00> : vector<128x16xf32>
    %dot_general3A_879 = tpu.matmul %convert_element_type3A_868, %convert_element_type3A_877, %dot_general3A_878 {dimension_numbers = #tpu.dot_dimension_numbers<[1], [1], [0], [0], [0, 0, 1, 0], [], []>, transpose_lhs_hint = false} : vector<128x128xf32>, vector<16x128xf32>, vector<128x16xf32> -> vector<128x16xf32>
    %convert_element_type3A_880 = arith.fptosi %dot_general3A_879 : vector<128x16xf32> to vector<128x16xi32>
    %slice3A = vector.extract_strided_slice %dot_general3A_873 {offsets = [0, 0], sizes = [128, 10], strides = [1, 1]} : vector<128x16xf32> to vector<128x10xf32>
    %slice3A_881 = vector.extract_strided_slice %convert_element_type3A_880 {offsets = [0, 0], sizes = [128, 10], strides = [1, 1]} : vector<128x16xi32> to vector<128x10xi32>
    %reduce_min3A = arith.constant dense<0x7F800000> : vector<128xf32>
    %reduce_min3A_882 = vector.multi_reduction <minimumf>, %slice3A, %reduce_min3A [1] : vector<128x10xf32> to vector<128xf32>
    %broadcast_in_dim3A_883 = vector.shape_cast %reduce_min3A_882 : vector<128xf32> to vector<128x1xf32>
    %sub3A_884 = vector.broadcast %broadcast_in_dim3A_883 : vector<128x1xf32> to vector<128x10xf32>
    %sub3A_885 = arith.subf %slice3A, %sub3A_884 : vector<128x10xf32>
    %neg3A = arith.constant 0.000000e+00 : f32
    %neg3A_886 = vector.broadcast %neg3A : f32 to vector<128x10xf32>
    %neg3A_887 = arith.subf %neg3A_886, %sub3A_885 : vector<128x10xf32>
    %div3A_888 = arith.constant 1.000000e-01 : f32
    %div3A_889 = vector.broadcast %div3A_888 : f32 to vector<128x10xf32>
    %div3A_890 = arith.divf %neg3A_887, %div3A_889 : vector<128x10xf32>
    %exp3A = math.exp %div3A_890 : vector<128x10xf32>
    %reduce_sum3A_891 = arith.constant dense<0.000000e+00> : vector<128xf32>
    %reduce_sum3A_892 = vector.multi_reduction <add>, %exp3A, %reduce_sum3A_891 [1] : vector<128x10xf32> to vector<128xf32>
    %broadcast_in_dim3A_893 = vector.shape_cast %reduce_sum3A_892 : vector<128xf32> to vector<128x1xf32>
    %div3A_894 = vector.broadcast %broadcast_in_dim3A_893 : vector<128x1xf32> to vector<128x10xf32>
    %div3A_895 = arith.divf %exp3A, %div3A_894 : vector<128x10xf32>
    %get3A_896 = arith.constant 0 : index
    %get3A_897 = arith.constant 0 : index
    %get3A_898 = vector.load %arg5[%get3A_896, %get3A_897] : memref<128x128xi32, #tpu.memory_space<vmem>>, vector<128x10xi32>
    %get3A_899 = arith.constant 0 : index
    %get3A_900 = arith.constant 0 : index
    %get3A_901 = vector.load %arg6[%get3A_899, %get3A_900] : memref<128x128xf32, #tpu.memory_space<vmem>>, vector<128x10xf32>
    %concatenate3A = tpu.concatenate %get3A_898, %slice3A_881 in 1 : vector<128x10xi32>, vector<128x10xi32> -> vector<128x20xi32>
    %broadcast_in_dim3A_902 = vector.shape_cast %concatenate3A : vector<128x20xi32> to vector<128x20x1xi32>
    %broadcast_in_dim3A_903 = vector.shape_cast %concatenate3A : vector<128x20xi32> to vector<128x1x20xi32>
    %eq3A_904 = vector.broadcast %broadcast_in_dim3A_902 : vector<128x20x1xi32> to vector<128x20x20xi32>
    %eq3A_905 = vector.broadcast %broadcast_in_dim3A_903 : vector<128x1x20xi32> to vector<128x20x20xi32>
    %eq3A_906 = arith.cmpi eq, %eq3A_904, %eq3A_905 : vector<128x20x20xi32>
    %iota3A_907 = tpu.iota {dimensions = array<i32: 1>} : vector<128x20x20xi32>
    %iota3A_908 = tpu.iota {dimensions = array<i32: 2>} : vector<128x20x20xi32>
    %lt3A = arith.cmpi slt, %iota3A_908, %iota3A_907 : vector<128x20x20xi32>
    %and3A = arith.andi %eq3A_906, %lt3A : vector<128x20x20xi1>
    %reduce_or3A = arith.constant 1.000000e+00 : f32
    %reduce_or3A_909 = arith.constant 0.000000e+00 : f32
    %reduce_or3A_910 = vector.broadcast %reduce_or3A : f32 to vector<128x20x20xf32>
    %reduce_or3A_911 = vector.broadcast %reduce_or3A_909 : f32 to vector<128x20x20xf32>
    %reduce_or3A_912 = arith.select %and3A, %reduce_or3A_910, %reduce_or3A_911 : vector<128x20x20xi1>, vector<128x20x20xf32>
    %reduce_or3A_913 = arith.constant dense<0xFF800000> : vector<128x20xf32>
    %reduce_or3A_914 = vector.multi_reduction <maximumf>, %reduce_or3A_912, %reduce_or3A_913 [2] : vector<128x20x20xf32> to vector<128x20xf32>
    %reduce_or3A_915 = arith.constant 0.000000e+00 : f32
    %reduce_or3A_916 = vector.broadcast %reduce_or3A_915 : f32 to vector<128x20xf32>
    %reduce_or3A_917 = arith.cmpf ogt, %reduce_or3A_914, %reduce_or3A_916 : vector<128x20xf32>
    %not3A = arith.constant dense<true> : vector<128x20xi1>
    %not3A_918 = arith.xori %reduce_or3A_917, %not3A : vector<128x20xi1>
    %broadcast_in_dim3A_919 = vector.shape_cast %get3A_898 : vector<128x10xi32> to vector<128x1x10xi32>
    %eq3A_920 = vector.broadcast %broadcast_in_dim3A_902 : vector<128x20x1xi32> to vector<128x20x10xi32>
    %eq3A_921 = vector.broadcast %broadcast_in_dim3A_919 : vector<128x1x10xi32> to vector<128x20x10xi32>
    %eq3A_922 = arith.cmpi eq, %eq3A_920, %eq3A_921 : vector<128x20x10xi32>
    %convert_element_type3A_923 = arith.extui %eq3A_922 : vector<128x20x10xi1> to vector<128x20x10xi32>
    %convert_element_type3A_924 = arith.sitofp %convert_element_type3A_923 : vector<128x20x10xi32> to vector<128x20x10xf32>
    %broadcast_in_dim3A_925 = vector.shape_cast %get3A_901 : vector<128x10xf32> to vector<128x1x10xf32>
    %mul3A_926 = vector.broadcast %broadcast_in_dim3A_925 : vector<128x1x10xf32> to vector<128x20x10xf32>
    %mul3A_927 = arith.mulf %convert_element_type3A_924, %mul3A_926 : vector<128x20x10xf32>
    %reduce_sum3A_928 = arith.constant dense<0.000000e+00> : vector<128x20xf32>
    %reduce_sum3A_929 = vector.multi_reduction <add>, %mul3A_927, %reduce_sum3A_928 [2] : vector<128x20x10xf32> to vector<128x20xf32>
    %broadcast_in_dim3A_930 = vector.shape_cast %slice3A_881 : vector<128x10xi32> to vector<128x1x10xi32>
    %eq3A_931 = vector.broadcast %broadcast_in_dim3A_902 : vector<128x20x1xi32> to vector<128x20x10xi32>
    %eq3A_932 = vector.broadcast %broadcast_in_dim3A_930 : vector<128x1x10xi32> to vector<128x20x10xi32>
    %eq3A_933 = arith.cmpi eq, %eq3A_931, %eq3A_932 : vector<128x20x10xi32>
    %convert_element_type3A_934 = arith.extui %eq3A_933 : vector<128x20x10xi1> to vector<128x20x10xi32>
    %convert_element_type3A_935 = arith.sitofp %convert_element_type3A_934 : vector<128x20x10xi32> to vector<128x20x10xf32>
    %broadcast_in_dim3A_936 = vector.shape_cast %div3A_895 : vector<128x10xf32> to vector<128x1x10xf32>
    %mul3A_937 = vector.broadcast %broadcast_in_dim3A_936 : vector<128x1x10xf32> to vector<128x20x10xf32>
    %mul3A_938 = arith.mulf %convert_element_type3A_935, %mul3A_937 : vector<128x20x10xf32>
    %reduce_sum3A_939 = arith.constant dense<0.000000e+00> : vector<128x20xf32>
    %reduce_sum3A_940 = vector.multi_reduction <add>, %mul3A_938, %reduce_sum3A_939 [2] : vector<128x20x10xf32> to vector<128x20xf32>
    %max3A_941 = arith.constant 9.99999993E-9 : f32
    %max3A_942 = vector.broadcast %max3A_941 : f32 to vector<128x20xf32>
    %max3A_943 = arith.maximumf %reduce_sum3A_929, %max3A_942 : vector<128x20xf32>
    %jit3A = arith.constant 0.000000e+00 : f32
    %broadcast_in_dim3A_944 = vector.broadcast %jit3A : f32 to vector<128x20xf32>
    %select_n3A = arith.select %not3A_918, %max3A_943, %broadcast_in_dim3A_944 : vector<128x20xi1>, vector<128x20xf32>
    %reduce_sum3A_945 = arith.constant dense<0.000000e+00> : vector<128xf32>
    %reduce_sum3A_946 = vector.multi_reduction <add>, %select_n3A, %reduce_sum3A_945 [1] : vector<128x20xf32> to vector<128xf32>
    %broadcast_in_dim3A_947 = vector.shape_cast %reduce_sum3A_946 : vector<128xf32> to vector<128x1xf32>
    %div3A_948 = vector.broadcast %broadcast_in_dim3A_947 : vector<128x1xf32> to vector<128x20xf32>
    %div3A_949 = arith.divf %select_n3A, %div3A_948 : vector<128x20xf32>
    %max3A_950 = arith.constant 9.99999993E-9 : f32
    %max3A_951 = vector.broadcast %max3A_950 : f32 to vector<128x20xf32>
    %max3A_952 = arith.maximumf %reduce_sum3A_940, %max3A_951 : vector<128x20xf32>
    %jit3A_953 = arith.constant 0.000000e+00 : f32
    %broadcast_in_dim3A_954 = vector.broadcast %jit3A_953 : f32 to vector<128x20xf32>
    %select_n3A_955 = arith.select %not3A_918, %max3A_952, %broadcast_in_dim3A_954 : vector<128x20xi1>, vector<128x20xf32>
    %reduce_sum3A_956 = arith.constant dense<0.000000e+00> : vector<128xf32>
    %reduce_sum3A_957 = vector.multi_reduction <add>, %select_n3A_955, %reduce_sum3A_956 [1] : vector<128x20xf32> to vector<128xf32>
    %broadcast_in_dim3A_958 = vector.shape_cast %reduce_sum3A_957 : vector<128xf32> to vector<128x1xf32>
    %div3A_959 = vector.broadcast %broadcast_in_dim3A_958 : vector<128x1xf32> to vector<128x20xf32>
    %div3A_960 = arith.divf %select_n3A_955, %div3A_959 : vector<128x20xf32>
    %jit3A_961 = arith.constant 1.000000e+00 : f32
    %broadcast_in_dim3A_962 = vector.broadcast %jit3A_961 : f32 to vector<128x20xf32>
    %select_n3A_963 = arith.select %not3A_918, %div3A_949, %broadcast_in_dim3A_962 : vector<128x20xi1>, vector<128x20xf32>
    %log3A = math.log %select_n3A_963 : vector<128x20xf32>
    %jit3A_964 = arith.constant 1.000000e+00 : f32
    %broadcast_in_dim3A_965 = vector.broadcast %jit3A_964 : f32 to vector<128x20xf32>
    %select_n3A_966 = arith.select %not3A_918, %div3A_960, %broadcast_in_dim3A_965 : vector<128x20xi1>, vector<128x20xf32>
    %log3A_967 = math.log %select_n3A_966 : vector<128x20xf32>
    %sub3A_968 = arith.subf %log3A, %log3A_967 : vector<128x20xf32>
    %mul3A_969 = arith.mulf %div3A_949, %sub3A_968 : vector<128x20xf32>
    %jit3A_970 = arith.constant 0.000000e+00 : f32
    %broadcast_in_dim3A_971 = vector.broadcast %jit3A_970 : f32 to vector<128x20xf32>
    %select_n3A_972 = arith.select %not3A_918, %mul3A_969, %broadcast_in_dim3A_971 : vector<128x20xi1>, vector<128x20xf32>
    %reduce_sum3A_973 = vector.shape_cast %select_n3A_972 : vector<128x20xf32> to vector<1x128x20xf32>
    %reduce_sum3A_974 = arith.constant dense<0.000000e+00> : vector<1xf32>
    %reduce_sum3A_975 = vector.multi_reduction <add>, %reduce_sum3A_973, %reduce_sum3A_974 [1, 2] : vector<1x128x20xf32> to vector<1xf32>
    %reduce_sum3A_976 = vector.shape_cast %reduce_sum3A_975 : vector<1xf32> to vector<1x1x1xf32>
    %reduce_sum3A_977 = vector.extract %reduce_sum3A_976[0, 0, 0] : f32 from vector<1x1x1xf32>
    %div3A_978 = arith.constant 1.280000e+02 : f32
    %div3A_979 = arith.divf %reduce_sum3A_977, %div3A_978 : f32
    %get3A_980 = arith.constant 0 : index
    %get3A_981 = arith.constant 0 : index
    %get3A_982 = vector.load %arg7[%get3A_980, %get3A_981] : memref<64x64xf32, #tpu.memory_space<vmem>>, vector<64x64xf32>
    %integer_pow3A_983 = arith.mulf %get3A_982, %get3A_982 : vector<64x64xf32>
    %reduce_sum3A_984 = vector.shape_cast %integer_pow3A_983 : vector<64x64xf32> to vector<1x64x64xf32>
    %reduce_sum3A_985 = arith.constant dense<0.000000e+00> : vector<1xf32>
    %reduce_sum3A_986 = vector.multi_reduction <add>, %reduce_sum3A_984, %reduce_sum3A_985 [1, 2] : vector<1x64x64xf32> to vector<1xf32>
    %reduce_sum3A_987 = vector.shape_cast %reduce_sum3A_986 : vector<1xf32> to vector<1x1x1xf32>
    %reduce_sum3A_988 = vector.extract %reduce_sum3A_987[0, 0, 0] : f32 from vector<1x1x1xf32>
    %get3A_989 = arith.constant 0 : index
    %get3A_990 = arith.constant 0 : index
    %get3A_991 = vector.load %arg8[%get3A_989, %get3A_990] : memref<1x64xf32, #tpu.memory_space<vmem>>, vector<1x64xf32>
    %integer_pow3A_992 = arith.mulf %get3A_991, %get3A_991 : vector<1x64xf32>
    %reduce_sum3A_993 = vector.shape_cast %integer_pow3A_992 : vector<1x64xf32> to vector<1x1x64xf32>
    %reduce_sum3A_994 = arith.constant dense<0.000000e+00> : vector<1xf32>
    %reduce_sum3A_995 = vector.multi_reduction <add>, %reduce_sum3A_993, %reduce_sum3A_994 [1, 2] : vector<1x1x64xf32> to vector<1xf32>
    %reduce_sum3A_996 = vector.shape_cast %reduce_sum3A_995 : vector<1xf32> to vector<1x1x1xf32>
    %reduce_sum3A_997 = vector.extract %reduce_sum3A_996[0, 0, 0] : f32 from vector<1x1x1xf32>
    %add3A_998 = arith.addf %reduce_sum3A_988, %reduce_sum3A_997 : f32
    %div3A_999 = arith.constant 2.000000e+00 : f32
    %div3A_1000 = arith.divf %add3A_998, %div3A_999 : f32
    %mul3A_1001 = arith.constant 1.000000e+00 : f32
    %mul3A_1002 = arith.mulf %mul3A_1001, %max3A_863 : f32
    %mul3A_1003 = arith.constant 1.000000e+00 : f32
    %mul3A_1004 = arith.mulf %mul3A_1003, %div3A_979 : f32
    %add3A_1005 = arith.addf %mul3A_1002, %mul3A_1004 : f32
    %mul3A_1006 = arith.constant 9.99999974E-5 : f32
    %mul3A_1007 = arith.mulf %mul3A_1006, %div3A_1000 : f32
    %add3A_1008 = arith.addf %add3A_1005, %mul3A_1007 : f32
    %iota3A_1009 = tpu.iota {dimensions = array<i32: 1>} : vector<1x8xi32>
    %eq3A_1010 = arith.constant 0 : i32
    %eq3A_1011 = vector.broadcast %eq3A_1010 : i32 to vector<1x8xi32>
    %eq3A_1012 = arith.cmpi eq, %iota3A_1009, %eq3A_1011 : vector<1x8xi32>
    %jit3A_1013 = arith.constant 0.000000e+00 : f32
    %broadcast_in_dim3A_1014 = vector.broadcast %add3A_1008 : f32 to vector<1x8xf32>
    %broadcast_in_dim3A_1015 = vector.broadcast %jit3A_1013 : f32 to vector<1x8xf32>
    %select_n3A_1016 = arith.select %eq3A_1012, %broadcast_in_dim3A_1014, %broadcast_in_dim3A_1015 : vector<1x8xi1>, vector<1x8xf32>
    %eq3A_1017 = arith.constant 1 : i32
    %eq3A_1018 = vector.broadcast %eq3A_1017 : i32 to vector<1x8xi32>
    %eq3A_1019 = arith.cmpi eq, %iota3A_1009, %eq3A_1018 : vector<1x8xi32>
    %jit3A_1020 = arith.constant 0.000000e+00 : f32
    %broadcast_in_dim3A_1021 = vector.broadcast %max3A_863 : f32 to vector<1x8xf32>
    %broadcast_in_dim3A_1022 = vector.broadcast %jit3A_1020 : f32 to vector<1x8xf32>
    %select_n3A_1023 = arith.select %eq3A_1019, %broadcast_in_dim3A_1021, %broadcast_in_dim3A_1022 : vector<1x8xi1>, vector<1x8xf32>
    %add3A_1024 = arith.addf %select_n3A_1016, %select_n3A_1023 : vector<1x8xf32>
    %eq3A_1025 = arith.constant 2 : i32
    %eq3A_1026 = vector.broadcast %eq3A_1025 : i32 to vector<1x8xi32>
    %eq3A_1027 = arith.cmpi eq, %iota3A_1009, %eq3A_1026 : vector<1x8xi32>
    %jit3A_1028 = arith.constant 0.000000e+00 : f32
    %broadcast_in_dim3A_1029 = vector.broadcast %div3A_979 : f32 to vector<1x8xf32>
    %broadcast_in_dim3A_1030 = vector.broadcast %jit3A_1028 : f32 to vector<1x8xf32>
    %select_n3A_1031 = arith.select %eq3A_1027, %broadcast_in_dim3A_1029, %broadcast_in_dim3A_1030 : vector<1x8xi1>, vector<1x8xf32>
    %add3A_1032 = arith.addf %add3A_1024, %select_n3A_1031 : vector<1x8xf32>
    %swap3A = arith.constant 0 : index
    %swap3A_1033 = arith.constant 0 : index
    %swap3A_1034 = vector.load %arg9[%swap3A, %swap3A_1033] : memref<1x8xf32, #tpu.memory_space<vmem>>, vector<1x8xf32>
    tpu.vector_store %arg9[%swap3A, %swap3A_1033], %add3A_1032 {strides = array<i32>} : memref<1x8xf32, #tpu.memory_space<vmem>>, vector<1x8xf32>,
    return
  }
}

</mosaic_0001>

<sc_bundles>
// kernel: kernel.5.cloned.1.call-start
scs
__scs_entry_jumppad:
0x0: {  	(pc) =	sbr.rel $0x88, $3  }
0x1: {  	(tag) =	ssettag $0x0;
	lr =	simm.s32 $0x1  }
0x2: {  	[smem:$0x3F9A] =	sst lr;
	_ =	strace $0xD0000000  }
0x3: {  	_ = 	snop  }
0x4: {  	_ = 	snop  }
0x5: {  	_ = 	snop  }
0x6: {  	_ = 	snop  }
0x7: {  	_ = 	snop  }
__scs_overlays_trampoline_lowered:
0x8: {  	[smem:$0x3FA9] =	sst s0  }
0x9: {  	[smem:$0x3FAA] =	sst s1  }
0xa: {  	[smem:$0x3FAB] =	sst s2  }
0xb: {  	[smem:$0x3FAC] =	sst s3  }
0xc: {  	[smem:$0x3FAD] =	sst s4  }
0xd: {  	[smem:$0x3FAE] =	sst s5  }
0xe: {  	[smem:$0x3FAF] =	sst s6  }
0xf: {  	[smem:$0x3FB0] =	sst s7  }
0x10: {  	[smem:$0x3FB1] =	sst s8  }
0x11: {  	[smem:$0x3FB2] =	sst s9;
	s0 =	simm.s32 @!p0 $0x0  }
0x12: {  	s1 =	sld [smem:$0x3F98];
	s0 =	simm.s32 @p0 $0x1  }
0x13: {  	[smem:$0x3FB3] =	sst s0;
	s0 =	simm.s32 @!p1 $0x0  }
0x14: {  	s2 =	sld [smem:$0x3F97];
	s0 =	simm.s32 @p1 $0x1  }
0x15: {  	[smem:$0x3FB4] =	sst s0;
	s0 =	simm.s32 @!p2 $0x0  }
0x16: {  	s3 =	sld [smem:$0x3FDB];
	s0 =	simm.s32 @p2 $0x1  }
0x17: {  	s4 =	simm.s32 $0x1BF5;
	[smem:$0x3FB6] =	sst s0  }
0x18: {  	s0 =	sld [smem:$0x3F99];
	_ =	swait.ge [sflag:s4], $0x0  }
0x19: {  	s7 =	sld [smem:$0x3F9A]  }
0x1a: {  	s8 =	sadd.s32 $0xFFFFE003, lr  }
0x1b: {  	s9 =	sadd.s32 $0xFFFFFEF7, lr;
	s5 =	simm.s32 $0xFFFFFFFF;
	p2 =	slt.u32 s8, $0xFFFFF086  }
0x1c: {  	p1 =	slt.u32 s9, $0xF7A;
	s5 =	simm.s32 @!p2 $0x0  }
0x1d: {  	s5 =	simm.s32 @p1 $0x1;
	p0 =	seq.s32 s7, s2  }
0x1e: {  	s7 =	smul.u32 @!p0 $0xF7A, s2;
	p2 =	seq.s32 @!p0 s5, $0x0  }
0x1f: {  	s9 =	smul.u32 $0xF7A, s1;
	s8 =	simm.s32 @!p0 $0x1BF5;
	p2 =	por !p2, p0  }
0x20: {  	[sflag:s8] =	ssyncset.s32 @!p0 $0xFFFFF086;
	s6 =	sadd.s32 @!p0 s3, s7;
	s7 =	simm.s32 @!p0 $0x108  }
0x21: {  	s3 =	sadd.s32 s3, s9;
	s6 =	sadd.s32 @!p0 $0x88, s6;
	s7 =	simm.s32 @p2 $0x1082  }
0x22: {  	[simem:s7], [sflag:s8] =	dma.local @!p0 [hbm:s6], $0xF7A  }
0x23: {  	s9 =	sor.u32 $0xD0000000, s2;
	s6 =	simm.s32 $0x108;
	_ =	swait.ge @!p0 [sflag:s8], $0x0  }
0x24: {  	s3 =	sadd.s32 $0x88, s3;
	s6 =	simm.s32 @!p1 $0x1082;
	[sflag:s4] =	ssyncset.s32 $0xFFFFF086  }
0x25: {  	[simem:s6], [sflag:s4] =	dma.local [hbm:s3], $0xF7A  }
0x26: {  	[smem:$0x3F9A] =	sst s1;
	(tag) =	ssettag s2;
	_ =	strace s9  }
0x27: {  	s1 =	sld [smem:$0x3FAA]  }
0x28: {  	s2 =	sld [smem:$0x3FAB]  }
0x29: {  	s4 =	sld [smem:$0x3FAD]  }
0x2a: {  	p0 =	seq.s32 s5, $0x0;
	s5 =	sld [smem:$0x3FAE]  }
0x2b: {  	s6 =	sld [smem:$0x3FAF]  }
0x2c: {  	s7 =	sld [smem:$0x3FB0]  }
0x2d: {  	s3 =	simm.s32 $0x108;
	s8 =	sld [smem:$0x3FB1]  }
0x2e: {  	s3 =	simm.s32 @!p0 $0x1082;
	s9 =	sld [smem:$0x3FB2]  }
0x2f: {  	lr =	sadd.s32 s0, s3;
	s0 =	sld [smem:$0x3FA9]  }
0x30: {  	s3 =	sld [smem:$0x3FAC]  }
0x31: {  	[smem:$0x3FB5] =	sst s10  }
0x32: {  	s10 =	sld [smem:$0x3FB3];
	_ =	sdelay $0x3  }
0x33: {  	p0 =	seq.s32 s10, $0x1;
	s10 =	sld [smem:$0x3FB5];
	_ =	sdelay $0x3  }
0x34: {  	[smem:$0x3FB5] =	sst s10  }
0x35: {  	s10 =	sld [smem:$0x3FB4];
	_ =	sdelay $0x3  }
0x36: {  	p1 =	seq.s32 s10, $0x1;
	s10 =	sld [smem:$0x3FB5];
	_ =	sdelay $0x3  }
0x37: {  	[smem:$0x3FB5] =	sst s10  }
0x38: {  	s10 =	sld [smem:$0x3FB6]  }
0x39: {  	_ = 	snop;
	(pc) =	sbr.ind lr, $3  }
0x3a: {  	_ = 	snop  }
0x3b: {  	_ = 	snop  }
0x3c: {  	p2 =	seq.s32 s10, $0x1;
	s10 =	sld [smem:$0x3FB5]  }
0x3d: {  	_ =	shalt  }
0x3e: {  	_ =	shalt  }
0x3f: {  	_ =	shalt  }
0x40: {  	_ =	shalt  }
0x41: {  	_ =	shalt  }
0x42: {  	_ =	shalt  }
0x43: {  	_ =	shalt  }
0x44: {  	_ =	shalt  }
0x45: {  	_ =	shalt  }
0x46: {  	_ =	shalt  }
0x47: {  	_ =	shalt  }
0x48: {  	_ =	shalt  }
0x49: {  	_ =	shalt  }
0x4a: {  	_ =	shalt  }
0x4b: {  	_ =	shalt  }
0x4c: {  	_ =	shalt  }
0x4d: {  	_ =	shalt  }
0x4e: {  	_ =	shalt  }
0x4f: {  	_ =	shalt  }
0x50: {  	_ =	shalt  }
0x51: {  	_ =	shalt  }
0x52: {  	_ =	shalt  }
0x53: {  	_ =	shalt  }
0x54: {  	_ =	shalt  }
0x55: {  	_ =	shalt  }
0x56: {  	_ =	shalt  }
0x57: {  	_ =	shalt  }
0x58: {  	_ =	shalt  }
0x59: {  	_ =	shalt  }
0x5a: {  	_ =	shalt  }
0x5b: {  	_ =	shalt  }
0x5c: {  	_ =	shalt  }
0x5d: {  	_ =	shalt  }
0x5e: {  	_ =	shalt  }
0x5f: {  	_ =	shalt  }
0x60: {  	_ =	shalt  }
0x61: {  	_ =	shalt  }
0x62: {  	_ =	shalt  }
0x63: {  	_ =	shalt  }
0x64: {  	_ =	shalt  }
0x65: {  	_ =	shalt  }
0x66: {  	_ =	shalt  }
0x67: {  	_ =	shalt  }
0x68: {  	_ =	shalt  }
0x69: {  	_ =	shalt  }
0x6a: {  	_ =	shalt  }
0x6b: {  	_ =	shalt  }
0x6c: {  	_ =	shalt  }
0x6d: {  	_ =	shalt  }
0x6e: {  	_ =	shalt  }
0x6f: {  	_ =	shalt  }
0x70: {  	_ =	shalt  }
0x71: {  	_ =	shalt  }
0x72: {  	_ =	shalt  }
0x73: {  	_ =	shalt  }
0x74: {  	_ =	shalt  }
0x75: {  	_ =	shalt  }
0x76: {  	_ =	shalt  }
0x77: {  	_ =	shalt  }
0x78: {  	_ =	shalt  }
0x79: {  	_ =	shalt  }
0x7a: {  	_ =	shalt  }
0x7b: {  	_ =	shalt  }
0x7c: {  	_ =	shalt  }
0x7d: {  	_ =	shalt  }
0x7e: {  	_ =	shalt  }
0x7f: {  	_ =	shalt  }
0x80: {  	_ =	shalt  }
0x81: {  	_ =	shalt  }
0x82: {  	_ =	shalt  }
0x83: {  	_ =	shalt  }
0x84: {  	_ =	shalt  }
0x85: {  	_ =	shalt  }
0x86: {  	_ =	shalt  }
0x87: {  	_ =	shalt  }
.Lfunc_end0:
.L_simem_size_0:
called_computation_lowered:
.L_overlay_start_0:
0x88: {  	s2 =	sld [smem:$0x3FD9]  }
0x89: {  	s3 =	sld [smem:$0x3FFE];
	_ =	sdelay $0x1  }
0x8a: {  	s1 =	srdreg.scid  }
0x8b: {  	s0 =	sand.u32 $0x1, s1  }
0x8c: {  	s17 =	sshll.u32 s0, $0xA;
	s2 =	sadd.s32 s3, s2  }
0x8d: {  	s2 =	sadd.s32 s2, s17  }
0x8e: {  	[smem:$0x3FC1] =	sst s2  }
0x8f: {  	_ = 	snop  }
0x90: {  	s2 =	sld [smem:$0x3FC8];
	(tm) =	ssettm $0x1  }
0x91: {  	s18 =	sld [smem:$0x3FFB];
	_ =	sdelay $0x3  }
0x92: {  	_ =	strace s18  }
0x93: {  	s3 =	sld [smem:$0x3FFC];
	_ =	sdelay $0x3  }
0x94: {  	_ =	strace s3  }
0x95: {  	s3 =	sld [smem:$0x3FFD];
	_ =	sdelay $0x3  }
0x96: {  	_ =	strace s3  }
0x97: {  	_ =	strace $0x8FFFFFFF  }
0x98: {  	s19 =	sld [smem:$0x3FDB];
	_ =	sdelay $0x1  }
0x99: {  	s4 =	simm.s32 $_scs_section_size  }
0x9a: {  	s5 =	simm.s32 $_size__tile_overlayer_lowered;
	s6 =	simm.s32 $_tile_overlayer_lowered  }
0x9b: {  	s22 =	simm.s32 $0x1BFF;
	s21 =	sshll.u32 s6, $0x1;
	s3 =	sadd.s32 s4, s19  }
0x9c: {  	s7 =	simm.s32 $0x0;
	s20 =	sshll.u32 s5, $0x1;
	s5 =	sadd.s32 s21, s3  }
0x9d: {  	[timem:s7], [sflag:s22] =	dma.local [hbm:s5], s20  }
0x9e: {  	_ =	swait.ge [sflag:s22], s20  }
0x9f: {  	s4 =	ssub.s32 $0x0, s20;
	[sflag:s22] =	ssyncset.done $0x0  }
0xa0: {  	[sflag:s22] =	ssyncadd.s32 s4;
	_ =	sdelay $0x1  }
0xa1: {  	s23 =	simm.s32 $0x1B8B  }
0xa2: {  	_ =	swait.ge [sflag:s23], $0x1  }
0xa3: {  	[sflag:s23] =	ssyncset.done $0x0  }
0xa4: {  	s25 =	simm.s32 $0x1B8E;
	s24 =	sld [smem:$0x3FFE];
	[sflag:s23] =	ssyncadd.s32 $0xFFFFFFFF  }
0xa5: {  	s26 =	simm.s32 $execute0_lowered;
	[smem:$0x3FD2] =	sst s25  }
0xa6: {  	s5 =	sshll.u32 s26, $0x1;
	_ =	strace $0x80000046;
	[dreg:$0x1] =	wrdreg $0xFFFFFFFF  }
0xa7: {  	s28 =	simm.s32 $_size_execute0_lowered;
	s3 =	sadd.s32 s3, s5;
	[dreg:$0x0] =	wrdreg $0x0  }
0xa8: {  	s5 =	sshll.u32 s28, $0x1;
	[dreg:$0x2] =	wrdreg s3  }
0xa9: {  	[dreg:$0x3] =	wrdreg s5  }
0xaa: {  	[dreg:$0x4] =	wrdreg $0xC0  }
0xab: {  	_ =	task [dreg:s7], $0x5FFFF  }
0xac: {  	[dreg:$0x1] =	wrdreg $0xFFFFFFFF  }
0xad: {  	[dreg:$0x0] =	wrdreg $0x60  }
0xae: {  	[dreg:$0x2] =	wrdreg s2  }
0xaf: {  	[dreg:$0x3] =	wrdreg s24  }
0xb0: {  	[dreg:$0x4] =	wrdreg $0x9  }
0xb1: {  	_ =	task.clear_ibuf [dreg:s7], $0x5FFFF;
	_ =	strace $0x90000046  }
0xb2: {  	s29 =	simm.s32 $0x9;
	_ =	strace $0x80000048  }
0xb3: {  	_ =	swait.ge [sflag:s29], $0x1  }
0xb4: {  	[sflag:s29] =	ssyncadd.s32 $0xFFFFFFFF  }
0xb5: {  	_ =	strace $0x90000048  }
0xb6: {  	_ =	sfence  }
0xb7: {  	s30 =	sld [smem:$0x0];
	_ =	sdelay $0x2  }
0xb8: {  	s31 =	sshll.u32 s1, $0xD;
	s1 =	sshrl.u32 s1, $0x2  }
0xb9: {  	s3 =	sand.u32 $0x4000, s31;
	s1 =	sadd.s32 s1, s30  }
0xba: {  	s0 =	sor.u32 s3, s0;
	s1 =	sshll.u32 s1, $0x11  }
0xbb: {  	s0 =	sor.u32 s1, s0  }
0xbc: {  	s0 =	sadd.s32 $0x8F2B, s0  }
0xbd: {  	[sflag:s0] =	ssyncadd.remote.s32 $0x1  }
0xbe: {  	_ =	sfence.sel $0xFFFF  }
0xbf: {  	[dreg:$0x0] =	wrdreg $0xFFFFFFFF;
	(pc) =	sbr.abs _section_cstart, $3  }
0xc0: {  	[dreg:$0x1] =	wrdreg $0xFFFFFFFF  }
0xc1: {  	_ =	task.clear_ibuf [dreg:s7], $0x2FFFF;
	_ =	strace $0x9FFFFFFF  }
0xc2: {  	(tm) =	ssettm $0x7FFFFFFF  }
0xc3: {  	_ =	shalt  }
tec
execute0_lowered:
.L_overlay_start_1:
0x0: {  	(tag) =	ssettag $0x1  }
0x1: {  	s1 =	stileid.u32  }
0x2: {  	p0 =	sgt.u32 s1, $0x7  }
.Ltmp0:
0x3: {  	_ = 	snop;
	(pc) =	sbr.rel @p0 .LBB2_4-.Ltmp0, $4  }
0x4: {  	s3 =	rddreg [dreg:$0x0]  }
0x5: {  	s12 =	rddreg [dreg:$0x1];
	s2 =	simm.s32 $0x0  }
0x6: {  	[smem:$0x7FF] =	sst s2  }
0x7: {  	s0 =	rddreg [dreg:$0x2];
	_ =	strace $0x80000047  }
0x8: {  	s4 =	srdreg.scid  }
0x9: {  	s30 =	sshll.u32 s1, $0x1;
	s13 =	sand.u32 $0x1, s4  }
0xa: {  	s14 =	sor.u32 s13, s30  }
0xb: {  	s4 =	sadd.s32 s3, s14;
	s3 =	simm.s32 $0x3  }
0xc: {  	[tilespmem:s2], [sflag:$0x3] =	stream.linear.gather [hbm4b:s4+s2], $0x8, $0x38;
	[tilespmem:$0x880] =	vst v63  }
0xd: {  	_ =	swait.ge [sflag:s3], $0x8  }
0xe: {  	s5 =	sadd.s32 $0x3400, s12;
	s6 =	simm.s32 $0x8;
	[sflag:s3] =	ssyncset.done $0x0  }
0xf: {  	s7 =	simm.s32 $0x80;
	s8 =	simm.s32 $0x1;
	[sflag:s3] =	ssyncadd.s32 $0xFFFFFFF8  }
0x10: {  	[tilespmem:s7], [sflag:$0x1] =	stream.indirect.gather [hbm4b:s5+s6], $0x80, s2, s6, $0xb8;
	[tilespmem:$0x880] =	vst v63  }
0x11: {  	_ =	swait.ge [sflag:s8], $0x400  }
0x12: {  	s9 =	sadd.s32 $0x2A600, s12;
	s10 =	simm.s32 $0x480;
	[sflag:s8] =	ssyncset.done $0x0  }
0x13: {  	s11 =	simm.s32 $0x2;
	s13 =	ssub.s32 $0x2, s13;
	[sflag:s8] =	ssyncadd.s32 $0xFFFFFC00  }
0x14: {  	[tilespmem:s10], [sflag:$0x2] =	stream.indirect.gather [hbm4b:s9+s6], $0x80, s2, s6, $0xb8;
	[tilespmem:$0x880] =	vst v63  }
0x15: {  	s14 =	sshll.u32 s14, $0x7;
	s15 =	sshrl.u32 s13, $0x1;
	_ =	swait.ge [sflag:s11], $0x400  }
0x16: {  	s14 =	sadd.s32 s14, s12;
	s15 =	ssub.s32 s13, s15;
	[sflag:s11] =	ssyncset.done $0x0  }
0x17: {  	s12 =	sadd.s32 $0x51800, s14;
	s31 =	smax.u32 s15, $0x1;
	[sflag:s11] =	ssyncadd.s32 $0xFFFFFC00  }
0x18: {  	[hbm4b:s12+s2] =	stream.linear.scatter [tilespmem:s7], [sflag:$0x3], $0x400, $0x38;
	[tilespmem:$0x880] =	vst v63  }
0x19: {  	p0 =	sne.s32 s31, $0x1;
	_ =	swait.ge [sflag:s3], $0x400  }
.Ltmp1:
0x1a: {  	[sflag:s3] =	ssyncset.done $0x0;
	(pc) =	sbr.rel @!p0 .LBB2_3-.Ltmp1, $4  }
0x1b: {  	s13 =	sadd.s32 $0x52000, s14;
	[sflag:s3] =	ssyncadd.s32 $0xFFFFFC00  }
0x1c: {  	[hbm4b:s13+s2] =	stream.linear.scatter [tilespmem:s10], [sflag:$0x3], $0x400, $0x38;
	[tilespmem:$0x880] =	vst v63  }
0x1d: {  	_ =	swait.ge [sflag:s3], $0x400  }
0x1e: {  	s14 =	sadd.s32 $0xFFFFFFFF, s31;
	[sflag:s3] =	ssyncset.done $0x0  }
.LBB2_2:
0x1f: {  	p0 =	sne.s32 s14, $0x1;
	s14 =	sadd.s32 $0xFFFFFFFF, s14;
	[sflag:s3] =	ssyncadd.s32 $0xFFFFFC00  }
0x20: {  	[tilespmem:s2], [sflag:$0x3] =	stream.linear.gather [hbm4b:s4+s2], $0x8, $0x38;
	[tilespmem:$0x880] =	vst v63  }
0x21: {  	_ =	swait.ge [sflag:s3], $0x8  }
0x22: {  	[sflag:s3] =	ssyncset.done $0x0  }
0x23: {  	[sflag:s3] =	ssyncadd.s32 $0xFFFFFFF8  }
0x24: {  	[tilespmem:s7], [sflag:$0x1] =	stream.indirect.gather [hbm4b:s5+s6], $0x80, s2, s6, $0xb8;
	[tilespmem:$0x880] =	vst v63  }
0x25: {  	_ =	swait.ge [sflag:s8], $0x400  }
0x26: {  	[sflag:s8] =	ssyncset.done $0x0  }
0x27: {  	[sflag:s8] =	ssyncadd.s32 $0xFFFFFC00  }
0x28: {  	[tilespmem:s10], [sflag:$0x2] =	stream.indirect.gather [hbm4b:s9+s6], $0x80, s2, s6, $0xb8;
	[tilespmem:$0x880] =	vst v63  }
0x29: {  	_ =	swait.ge [sflag:s11], $0x400  }
0x2a: {  	[sflag:s11] =	ssyncset.done $0x0  }
0x2b: {  	[sflag:s11] =	ssyncadd.s32 $0xFFFFFC00  }
0x2c: {  	[hbm4b:s12+s2] =	stream.linear.scatter [tilespmem:s7], [sflag:$0x3], $0x400, $0x38;
	[tilespmem:$0x880] =	vst v63  }
0x2d: {  	_ =	swait.ge [sflag:s3], $0x400  }
.Ltmp2:
0x2e: {  	[sflag:s3] =	ssyncset.done $0x0;
	(pc) =	sbr.rel @p0 .LBB2_2-.Ltmp2, $4  }
0x2f: {  	[sflag:s3] =	ssyncadd.s32 $0xFFFFFC00  }
0x30: {  	[hbm4b:s13+s2] =	stream.linear.scatter [tilespmem:s10], [sflag:$0x3], $0x400, $0x38;
	[tilespmem:$0x880] =	vst v63  }
0x31: {  	_ =	swait.ge [sflag:s3], $0x400  }
0x32: {  	[sflag:s3] =	ssyncset.done $0x0  }
.LBB2_3:
0x33: {  	[sflag:s3] =	ssyncadd.s32 $0xFFFFFC00  }
.LBB2_4:
0x34: {  	_ =	sfence.sel $0x180000  }
0x35: {  	[bflag:$0x0] =	sbarrier.arrive $0xFFFF  }
0x36: {  	p0 =	sne.s32 s1, $0x0;
	_ =	strace $0x90000047  }
0x37: {  	s0 =	sadd.s32 @!p0 $0x100000, s0;
	[bflag:$0x2] =	sbarrier.arrive $0xFFFF  }
0x38: {  	[sflag:s0] =	ssyncadd.tile.s32 @!p0 $0x1;
	_ =	shalt  }
.Lfunc_end2:
_tile_overlayer_lowered:
.L_overlay_start_2:
0x39: {  	(tag) =	ssettag $0x2  }
0x3a: {  	s0 =	rddreg [dreg:$0x0];
	s2 =	stileid.u32  }
0x3b: {  	s1 =	rddreg [dreg:$0x1];
	p0 =	sne.s32 s2, $0x0  }
0x3c: {  	s3 =	rddreg [dreg:$0x2];
	[bflag:$0x3] =	sbarrier.arrive $0xFFFF;
	s2 =	simm.s32 @!p0 $0x1C03  }
0x3d: {  	[timem:s3], [sflag:s2] =	dma.local @!p0 [hbm:s0], s1  }
0x3e: {  	s0 =	simm.s32 @!p0 $0x3  }
0x3f: {  	_ =	swait.ge @!p0 [sflag:s0], s1  }
0x40: {  	s1 =	ssub.s32 @!p0 $0x0, s1;
	[sflag:s0] =	ssyncset.done @!p0 $0x0  }
0x41: {  	[sflag:s0] =	ssyncadd.s32 @!p0 s1  }
0x42: {  	[bflag:$0x3] =	sbarrier.arrive $0xFFFF  }
0x43: {  	_ =	shalt  }

</sc_bundles>
